<compile_context>
chip_gen: v7x
topology: tpu7x:2x2x1
jax: 0.10.2.dev20260603
libtpu: 0.0.44.dev20260713+nightly
codegen_flags: <defaults>
</compile_context>

<pallas_src>
import functools

import jax
import jax.numpy as jnp
from jax import lax
from jax.experimental import pallas as pl
from jax.experimental.pallas import tpu as pltpu
from jax.experimental.pallas import tpu_sc as plsc

_NC = 2
_NS = 16
_NW = _NC * _NS
_L = 16


@functools.partial(jax.jit, static_argnums=(2, 3))
def _qam_lookup(tbl, s_flat, n, blk):
    per_w = n // _NW
    nblk = per_w // blk
    nvec = blk // _L
    mesh = plsc.VectorSubcoreMesh(core_axis_name="c", subcore_axis_name="s")
    fdt = jnp.float32

    @functools.partial(
        pl.kernel,
        mesh=mesh,
        out_type=(jax.ShapeDtypeStruct((n,), fdt), jax.ShapeDtypeStruct((n,), fdt)),
        scratch_types=[
            pltpu.VMEM((64,), fdt), pltpu.VMEM((64,), fdt),
            pltpu.VMEM((blk,), jnp.int32), pltpu.VMEM((blk,), jnp.int32),
            pltpu.VMEM((blk,), fdt), pltpu.VMEM((blk,), fdt),
            pltpu.VMEM((blk,), fdt), pltpu.VMEM((blk,), fdt),
            pltpu.SemaphoreType.DMA, pltpu.SemaphoreType.DMA,
            pltpu.SemaphoreType.DMA, pltpu.SemaphoreType.DMA,
        ],
        compiler_params=pltpu.CompilerParams(needs_layout_passes=False),
    )
    def body(tbl_hbm, s_hbm, re_hbm, im_hbm, tre_v, tim_v,
             idx0, idx1, re0, re1, im0, im1, sin0, sin1, sout0, sout1):
        wid = lax.axis_index("s") * _NC + lax.axis_index("c")
        base = wid * per_w
        pltpu.sync_copy(tbl_hbm.at[pl.ds(0, 64)], tre_v)
        pltpu.sync_copy(tbl_hbm.at[pl.ds(64, 64)], tim_v)
        idx_bufs, re_bufs, im_bufs = (idx0, idx1), (re0, re1), (im0, im1)
        sin, sout = (sin0, sin1), (sout0, sout1)
        in_h, out_h = {}, {}

        def start_in(b):
            off = base + b * blk
            in_h[b] = pltpu.async_copy(
                s_hbm.at[pl.ds(off, blk)], idx_bufs[b % 2], sin[b % 2])

        start_in(0)
        for b in range(nblk):
            if b + 1 < nblk:
                start_in(b + 1)
            in_h.pop(b).wait()
            if b >= 2:
                h1, h2 = out_h.pop(b - 2)
                h1.wait()
                h2.wait()
            iv, rv, mv = idx_bufs[b % 2], re_bufs[b % 2], im_bufs[b % 2]

            @plsc.parallel_loop(0, blk, step=_L, unroll=8)
            def _(i, iv=iv, rv=rv, mv=mv):
                sl = pl.ds(i, _L)
                sv = iv[sl]
                rv[sl] = plsc.load_gather(tre_v, [sv])
                mv[sl] = plsc.load_gather(tim_v, [sv])
            off = base + b * blk
            out_h[b] = (
                pltpu.async_copy(rv, re_hbm.at[pl.ds(off, blk)], sout[b % 2]),
                pltpu.async_copy(mv, im_hbm.at[pl.ds(off, blk)], sout[b % 2]),
            )
        for b in range(max(0, nblk - 2), nblk):
            h1, h2 = out_h.pop(b)
            h1.wait()
            h2.wait()

    return body(tbl, s_flat)


def kernel(s, C):
    n = s.size
    tbl = jnp.concatenate([C.real, C.imag])
    s_flat = s.reshape(-1).astype(jnp.int32)
    re, im = _qam_lookup(tbl, s_flat, n, 12800)
    return lax.complex(re, im).reshape(s.shape)

# --- scband reference (transcript-rebuilt; emitter-appended) ---
"""Pipeline reference for scband-qam-38414187495962 (READ-ONLY COPY).

The authoritative reference and input builder live on the scoring server;
editing this copy changes nothing except your own understanding.
"""

import jax, jax.numpy as jnp
import numpy as np


def gen_const(bit_per_cu):
    # Standard square M-QAM constellation (assumes even bit_per_cu).
    m = int(round(2 ** (bit_per_cu / 2)))
    levels = (2 * np.arange(m) - (m - 1)).astype(np.float32)
    I, Q = np.meshgrid(levels, levels)
    C = np.stack([I.ravel(), Q.ravel()], axis=1).astype(np.float32)
    return C


def build_constellation(bit_per_cu):
    C = gen_const(bit_per_cu)
    en_point = np.mean(np.sum(np.square(C), axis=1))
    C = C / np.sqrt(en_point)
    # complex(C[:,0], C[:,1])
    return jnp.asarray(C[:, 0] + 1j * C[:, 1], dtype=jnp.complex64)


def setup_inputs(seed: int = 0) -> dict:
    key = jax.random.key(seed)
    bit_per_cu = 6
    M = 2 ** bit_per_cu  # 64-QAM -> 64 constellation points
    s = jax.random.randint(key, (16384, 200), 0, M)
    C = build_constellation(bit_per_cu)
    return {"s": s, "C": C}


def reference(s, C):
    # tf.gather(self.C, s)
    return jnp.take(C, s, axis=0)

if __name__ == "__main__":
    import jax
    _d = setup_inputs()
    print(jax.jit(kernel)(*tuple(_d.values())))

</pallas_src>

<mosaic_0001>
#map = affine_map<(d0, d1) -> (0)>
module attributes {stable_mosaic.version = 14 : i64} {
  func.func @body(%arg0: i32, %arg1: i32, %arg2: memref<128xf32, #tpu.memory_space<hbm>>, %arg3: memref<3276800xi32, #tpu.memory_space<hbm>>, %arg4: memref<3276800xf32, #tpu.memory_space<hbm>>, %arg5: memref<3276800xf32, #tpu.memory_space<hbm>>, %arg6: memref<64xf32, #tpu.memory_space<vmem>>, %arg7: memref<64xf32, #tpu.memory_space<vmem>>, %arg8: memref<12800xi32, #tpu.memory_space<vmem>>, %arg9: memref<12800xi32, #tpu.memory_space<vmem>>, %arg10: memref<12800xf32, #tpu.memory_space<vmem>>, %arg11: memref<12800xf32, #tpu.memory_space<vmem>>, %arg12: memref<12800xf32, #tpu.memory_space<vmem>>, %arg13: memref<12800xf32, #tpu.memory_space<vmem>>, %arg14: memref<!tpu.dma_semaphore, #tpu.memory_space<semaphore_mem>>, %arg15: memref<!tpu.dma_semaphore, #tpu.memory_space<semaphore_mem>>, %arg16: memref<!tpu.dma_semaphore, #tpu.memory_space<semaphore_mem>>, %arg17: memref<!tpu.dma_semaphore, #tpu.memory_space<semaphore_mem>>) attributes {dimension_semantics = [#tpu.dimension_semantics<core_parallel>, #tpu.dimension_semantics<subcore_parallel>], iteration_bounds = array<i64: 2, 16>, scalar_prefetch = 0 : i64, scratch_operands = 12 : i64, tpu.core_type = #tpu.core_type<sc_vector_subcore>, window_params = [{transform_indices = #map}, {transform_indices = #map}, {transform_indices = #map}, {transform_indices = #map}]} {
    %mul3A = arith.constant 2 : i32
    %mul3A_0 = arith.muli %arg1, %mul3A : i32
    %add3A = arith.addi %mul3A_0, %arg0 : i32
    %mul3A_1 = arith.constant 102400 : i32
    %mul3A_2 = arith.muli %add3A, %mul3A_1 : i32
    "tpu.region"() ({
      %run_scoped3A = tpu.sem_alloc : memref<!tpu.dma_semaphore, #tpu.memory_space<semaphore_mem>>
      %dma_start3A_152 = arith.constant 0 : i32
      %dma_start3A_153 = tpu.memref_slice %arg2[%dma_start3A_152] : memref<128xf32, #tpu.memory_space<hbm>> -> memref<64xf32, #tpu.memory_space<hbm>>
      %dma_start3A_154 = arith.constant 0 : i32
      %dma_start3A_155 = tpu.memref_slice %arg2[%dma_start3A_154] : memref<128xf32, #tpu.memory_space<hbm>> -> memref<64xf32, #tpu.memory_space<hbm>>
      tpu.enqueue_dma source(%dma_start3A_155 : memref<64xf32, #tpu.memory_space<hbm>>) target(%arg6 : memref<64xf32, #tpu.memory_space<vmem>>) target_semaphore(%run_scoped3A : memref<!tpu.dma_semaphore, #tpu.memory_space<semaphore_mem>>)
      %dma_wait3A_156 = arith.constant 0 : i32
      %dma_wait3A_157 = tpu.memref_slice %arg2[%dma_wait3A_156] : memref<128xf32, #tpu.memory_space<hbm>> -> memref<64xf32, #tpu.memory_space<hbm>>
      %dma_wait3A_158 = arith.constant 0 : i32
      %dma_wait3A_159 = tpu.memref_slice %arg2[%dma_wait3A_158] : memref<128xf32, #tpu.memory_space<hbm>> -> memref<64xf32, #tpu.memory_space<hbm>>
      tpu.wait_dma2 semaphore(%run_scoped3A : memref<!tpu.dma_semaphore, #tpu.memory_space<semaphore_mem>>) src(%dma_wait3A_159 : memref<64xf32, #tpu.memory_space<hbm>>) dst(%arg6 : memref<64xf32, #tpu.memory_space<vmem>>)
      tpu.yield
    }) : () -> ()
    "tpu.region"() ({
      %run_scoped3A = tpu.sem_alloc : memref<!tpu.dma_semaphore, #tpu.memory_space<semaphore_mem>>
      %dma_start3A_152 = arith.constant 64 : i32
      %dma_start3A_153 = tpu.memref_slice %arg2[%dma_start3A_152] : memref<128xf32, #tpu.memory_space<hbm>> -> memref<64xf32, #tpu.memory_space<hbm>>
      %dma_start3A_154 = arith.constant 64 : i32
      %dma_start3A_155 = tpu.memref_slice %arg2[%dma_start3A_154] : memref<128xf32, #tpu.memory_space<hbm>> -> memref<64xf32, #tpu.memory_space<hbm>>
      tpu.enqueue_dma source(%dma_start3A_155 : memref<64xf32, #tpu.memory_space<hbm>>) target(%arg7 : memref<64xf32, #tpu.memory_space<vmem>>) target_semaphore(%run_scoped3A : memref<!tpu.dma_semaphore, #tpu.memory_space<semaphore_mem>>)
      %dma_wait3A_156 = arith.constant 64 : i32
      %dma_wait3A_157 = tpu.memref_slice %arg2[%dma_wait3A_156] : memref<128xf32, #tpu.memory_space<hbm>> -> memref<64xf32, #tpu.memory_space<hbm>>
      %dma_wait3A_158 = arith.constant 64 : i32
      %dma_wait3A_159 = tpu.memref_slice %arg2[%dma_wait3A_158] : memref<128xf32, #tpu.memory_space<hbm>> -> memref<64xf32, #tpu.memory_space<hbm>>
      tpu.wait_dma2 semaphore(%run_scoped3A : memref<!tpu.dma_semaphore, #tpu.memory_space<semaphore_mem>>) src(%dma_wait3A_159 : memref<64xf32, #tpu.memory_space<hbm>>) dst(%arg7 : memref<64xf32, #tpu.memory_space<vmem>>)
      tpu.yield
    }) : () -> ()
    %add3A_3 = arith.constant 0 : i32
    %add3A_4 = arith.addi %mul3A_2, %add3A_3 : i32
    %dma_start3A = tpu.memref_slice %arg3[%add3A_4] : memref<3276800xi32, #tpu.memory_space<hbm>> -> memref<12800xi32, #tpu.memory_space<hbm>>
    %dma_start3A_5 = tpu.memref_slice %arg3[%add3A_4] : memref<3276800xi32, #tpu.memory_space<hbm>> -> memref<12800xi32, #tpu.memory_space<hbm>>
    tpu.enqueue_dma source(%dma_start3A_5 : memref<12800xi32, #tpu.memory_space<hbm>>) target(%arg8 : memref<12800xi32, #tpu.memory_space<vmem>>) target_semaphore(%arg14 : memref<!tpu.dma_semaphore, #tpu.memory_space<semaphore_mem>>)
    %add3A_6 = arith.constant 12800 : i32
    %add3A_7 = arith.addi %mul3A_2, %add3A_6 : i32
    %dma_start3A_8 = tpu.memref_slice %arg3[%add3A_7] : memref<3276800xi32, #tpu.memory_space<hbm>> -> memref<12800xi32, #tpu.memory_space<hbm>>
    %dma_start3A_9 = tpu.memref_slice %arg3[%add3A_7] : memref<3276800xi32, #tpu.memory_space<hbm>> -> memref<12800xi32, #tpu.memory_space<hbm>>
    tpu.enqueue_dma source(%dma_start3A_9 : memref<12800xi32, #tpu.memory_space<hbm>>) target(%arg9 : memref<12800xi32, #tpu.memory_space<vmem>>) target_semaphore(%arg15 : memref<!tpu.dma_semaphore, #tpu.memory_space<semaphore_mem>>)
    %dma_wait3A = tpu.memref_slice %arg3[%add3A_4] : memref<3276800xi32, #tpu.memory_space<hbm>> -> memref<12800xi32, #tpu.memory_space<hbm>>
    %dma_wait3A_10 = tpu.memref_slice %arg3[%add3A_4] : memref<3276800xi32, #tpu.memory_space<hbm>> -> memref<12800xi32, #tpu.memory_space<hbm>>
    tpu.wait_dma2 semaphore(%arg14 : memref<!tpu.dma_semaphore, #tpu.memory_space<semaphore_mem>>) src(%dma_wait3A_10 : memref<12800xi32, #tpu.memory_space<hbm>>) dst(%arg8 : memref<12800xi32, #tpu.memory_space<vmem>>)
    %parallel_loop3A = arith.constant 0 : i32
    %parallel_loop3A_11 = arith.constant 12800 : i32
    %parallel_loop3A_12 = arith.constant 16 : i32
    scf.for %parallel_loop3A_152 = %parallel_loop3A to %parallel_loop3A_11 step %parallel_loop3A_12  : i32 {
      %parallel_loop3A_153 = arith.index_cast %parallel_loop3A_152 : i32 to index
      %parallel_loop3A_154 = tpu.vector_load %arg8[%parallel_loop3A_153] {strides = array<i32>} : memref<12800xi32, #tpu.memory_space<vmem>>, vector<16xi32>,
      %parallel_loop3A_155 = tpu.vector_load_idx %arg6[%parallel_loop3A_154] : memref<64xf32, #tpu.memory_space<vmem>>[vector<16xi32>], vector<16xf32>,
      %parallel_loop3A_156 = arith.index_cast %parallel_loop3A_152 : i32 to index
      %parallel_loop3A_157 = tpu.vector_load %arg10[%parallel_loop3A_156] {strides = array<i32>} : memref<12800xf32, #tpu.memory_space<vmem>>, vector<16xf32>,
      tpu.vector_store %arg10[%parallel_loop3A_156], %parallel_loop3A_155 {strides = array<i32>} : memref<12800xf32, #tpu.memory_space<vmem>>, vector<16xf32>,
      %parallel_loop3A_158 = tpu.vector_load_idx %arg7[%parallel_loop3A_154] : memref<64xf32, #tpu.memory_space<vmem>>[vector<16xi32>], vector<16xf32>,
      %parallel_loop3A_159 = arith.index_cast %parallel_loop3A_152 : i32 to index
      %parallel_loop3A_160 = tpu.vector_load %arg12[%parallel_loop3A_159] {strides = array<i32>} : memref<12800xf32, #tpu.memory_space<vmem>>, vector<16xf32>,
      tpu.vector_store %arg12[%parallel_loop3A_159], %parallel_loop3A_158 {strides = array<i32>} : memref<12800xf32, #tpu.memory_space<vmem>>, vector<16xf32>,
    } {sc.loop_unroll_factor = 8 : i64, sc.parallel_access}
    %add3A_13 = arith.constant 0 : i32
    %add3A_14 = arith.addi %mul3A_2, %add3A_13 : i32
    %dma_start3A_15 = tpu.memref_slice %arg4[%add3A_14] : memref<3276800xf32, #tpu.memory_space<hbm>> -> memref<12800xf32, #tpu.memory_space<hbm>>
    %dma_start3A_16 = tpu.memref_slice %arg4[%add3A_14] : memref<3276800xf32, #tpu.memory_space<hbm>> -> memref<12800xf32, #tpu.memory_space<hbm>>
    tpu.enqueue_dma source(%arg10 : memref<12800xf32, #tpu.memory_space<vmem>>) target(%dma_start3A_16 : memref<12800xf32, #tpu.memory_space<hbm>>) target_semaphore(%arg16 : memref<!tpu.dma_semaphore, #tpu.memory_space<semaphore_mem>>)
    %dma_start3A_17 = tpu.memref_slice %arg5[%add3A_14] : memref<3276800xf32, #tpu.memory_space<hbm>> -> memref<12800xf32, #tpu.memory_space<hbm>>
    %dma_start3A_18 = tpu.memref_slice %arg5[%add3A_14] : memref<3276800xf32, #tpu.memory_space<hbm>> -> memref<12800xf32, #tpu.memory_space<hbm>>
    tpu.enqueue_dma source(%arg12 : memref<12800xf32, #tpu.memory_space<vmem>>) target(%dma_start3A_18 : memref<12800xf32, #tpu.memory_space<hbm>>) target_semaphore(%arg16 : memref<!tpu.dma_semaphore, #tpu.memory_space<semaphore_mem>>)
    %add3A_19 = arith.constant 25600 : i32
    %add3A_20 = arith.addi %mul3A_2, %add3A_19 : i32
    %dma_start3A_21 = tpu.memref_slice %arg3[%add3A_20] : memref<3276800xi32, #tpu.memory_space<hbm>> -> memref<12800xi32, #tpu.memory_space<hbm>>
    %dma_start3A_22 = tpu.memref_slice %arg3[%add3A_20] : memref<3276800xi32, #tpu.memory_space<hbm>> -> memref<12800xi32, #tpu.memory_space<hbm>>
    tpu.enqueue_dma source(%dma_start3A_22 : memref<12800xi32, #tpu.memory_space<hbm>>) target(%arg8 : memref<12800xi32, #tpu.memory_space<vmem>>) target_semaphore(%arg14 : memref<!tpu.dma_semaphore, #tpu.memory_space<semaphore_mem>>)
    %dma_wait3A_23 = tpu.memref_slice %arg3[%add3A_7] : memref<3276800xi32, #tpu.memory_space<hbm>> -> memref<12800xi32, #tpu.memory_space<hbm>>
    %dma_wait3A_24 = tpu.memref_slice %arg3[%add3A_7] : memref<3276800xi32, #tpu.memory_space<hbm>> -> memref<12800xi32, #tpu.memory_space<hbm>>
    tpu.wait_dma2 semaphore(%arg15 : memref<!tpu.dma_semaphore, #tpu.memory_space<semaphore_mem>>) src(%dma_wait3A_24 : memref<12800xi32, #tpu.memory_space<hbm>>) dst(%arg9 : memref<12800xi32, #tpu.memory_space<vmem>>)
    %parallel_loop3A_25 = arith.constant 0 : i32
    %parallel_loop3A_26 = arith.constant 12800 : i32
    %parallel_loop3A_27 = arith.constant 16 : i32
    scf.for %parallel_loop3A_152 = %parallel_loop3A_25 to %parallel_loop3A_26 step %parallel_loop3A_27  : i32 {
      %parallel_loop3A_153 = arith.index_cast %parallel_loop3A_152 : i32 to index
      %parallel_loop3A_154 = tpu.vector_load %arg9[%parallel_loop3A_153] {strides = array<i32>} : memref<12800xi32, #tpu.memory_space<vmem>>, vector<16xi32>,
      %parallel_loop3A_155 = tpu.vector_load_idx %arg6[%parallel_loop3A_154] : memref<64xf32, #tpu.memory_space<vmem>>[vector<16xi32>], vector<16xf32>,
      %parallel_loop3A_156 = arith.index_cast %parallel_loop3A_152 : i32 to index
      %parallel_loop3A_157 = tpu.vector_load %arg11[%parallel_loop3A_156] {strides = array<i32>} : memref<12800xf32, #tpu.memory_space<vmem>>, vector<16xf32>,
      tpu.vector_store %arg11[%parallel_loop3A_156], %parallel_loop3A_155 {strides = array<i32>} : memref<12800xf32, #tpu.memory_space<vmem>>, vector<16xf32>,
      %parallel_loop3A_158 = tpu.vector_load_idx %arg7[%parallel_loop3A_154] : memref<64xf32, #tpu.memory_space<vmem>>[vector<16xi32>], vector<16xf32>,
      %parallel_loop3A_159 = arith.index_cast %parallel_loop3A_152 : i32 to index
      %parallel_loop3A_160 = tpu.vector_load %arg13[%parallel_loop3A_159] {strides = array<i32>} : memref<12800xf32, #tpu.memory_space<vmem>>, vector<16xf32>,
      tpu.vector_store %arg13[%parallel_loop3A_159], %parallel_loop3A_158 {strides = array<i32>} : memref<12800xf32, #tpu.memory_space<vmem>>, vector<16xf32>,
    } {sc.loop_unroll_factor = 8 : i64, sc.parallel_access}
    %add3A_28 = arith.constant 12800 : i32
    %add3A_29 = arith.addi %mul3A_2, %add3A_28 : i32
    %dma_start3A_30 = tpu.memref_slice %arg4[%add3A_29] : memref<3276800xf32, #tpu.memory_space<hbm>> -> memref<12800xf32, #tpu.memory_space<hbm>>
    %dma_start3A_31 = tpu.memref_slice %arg4[%add3A_29] : memref<3276800xf32, #tpu.memory_space<hbm>> -> memref<12800xf32, #tpu.memory_space<hbm>>
    tpu.enqueue_dma source(%arg11 : memref<12800xf32, #tpu.memory_space<vmem>>) target(%dma_start3A_31 : memref<12800xf32, #tpu.memory_space<hbm>>) target_semaphore(%arg17 : memref<!tpu.dma_semaphore, #tpu.memory_space<semaphore_mem>>)
    %dma_start3A_32 = tpu.memref_slice %arg5[%add3A_29] : memref<3276800xf32, #tpu.memory_space<hbm>> -> memref<12800xf32, #tpu.memory_space<hbm>>
    %dma_start3A_33 = tpu.memref_slice %arg5[%add3A_29] : memref<3276800xf32, #tpu.memory_space<hbm>> -> memref<12800xf32, #tpu.memory_space<hbm>>
    tpu.enqueue_dma source(%arg13 : memref<12800xf32, #tpu.memory_space<vmem>>) target(%dma_start3A_33 : memref<12800xf32, #tpu.memory_space<hbm>>) target_semaphore(%arg17 : memref<!tpu.dma_semaphore, #tpu.memory_space<semaphore_mem>>)
    %add3A_34 = arith.constant 38400 : i32
    %add3A_35 = arith.addi %mul3A_2, %add3A_34 : i32
    %dma_start3A_36 = tpu.memref_slice %arg3[%add3A_35] : memref<3276800xi32, #tpu.memory_space<hbm>> -> memref<12800xi32, #tpu.memory_space<hbm>>
    %dma_start3A_37 = tpu.memref_slice %arg3[%add3A_35] : memref<3276800xi32, #tpu.memory_space<hbm>> -> memref<12800xi32, #tpu.memory_space<hbm>>
    tpu.enqueue_dma source(%dma_start3A_37 : memref<12800xi32, #tpu.memory_space<hbm>>) target(%arg9 : memref<12800xi32, #tpu.memory_space<vmem>>) target_semaphore(%arg15 : memref<!tpu.dma_semaphore, #tpu.memory_space<semaphore_mem>>)
    %dma_wait3A_38 = tpu.memref_slice %arg3[%add3A_20] : memref<3276800xi32, #tpu.memory_space<hbm>> -> memref<12800xi32, #tpu.memory_space<hbm>>
    %dma_wait3A_39 = tpu.memref_slice %arg3[%add3A_20] : memref<3276800xi32, #tpu.memory_space<hbm>> -> memref<12800xi32, #tpu.memory_space<hbm>>
    tpu.wait_dma2 semaphore(%arg14 : memref<!tpu.dma_semaphore, #tpu.memory_space<semaphore_mem>>) src(%dma_wait3A_39 : memref<12800xi32, #tpu.memory_space<hbm>>) dst(%arg8 : memref<12800xi32, #tpu.memory_space<vmem>>)
    %dma_wait3A_40 = tpu.memref_slice %arg4[%add3A_14] : memref<3276800xf32, #tpu.memory_space<hbm>> -> memref<12800xf32, #tpu.memory_space<hbm>>
    %dma_wait3A_41 = tpu.memref_slice %arg4[%add3A_14] : memref<3276800xf32, #tpu.memory_space<hbm>> -> memref<12800xf32, #tpu.memory_space<hbm>>
    tpu.wait_dma2 semaphore(%arg16 : memref<!tpu.dma_semaphore, #tpu.memory_space<semaphore_mem>>) src(%arg10 : memref<12800xf32, #tpu.memory_space<vmem>>) dst(%dma_wait3A_41 : memref<12800xf32, #tpu.memory_space<hbm>>)
    %dma_wait3A_42 = tpu.memref_slice %arg5[%add3A_14] : memref<3276800xf32, #tpu.memory_space<hbm>> -> memref<12800xf32, #tpu.memory_space<hbm>>
    %dma_wait3A_43 = tpu.memref_slice %arg5[%add3A_14] : memref<3276800xf32, #tpu.memory_space<hbm>> -> memref<12800xf32, #tpu.memory_space<hbm>>
    tpu.wait_dma2 semaphore(%arg16 : memref<!tpu.dma_semaphore, #tpu.memory_space<semaphore_mem>>) src(%arg12 : memref<12800xf32, #tpu.memory_space<vmem>>) dst(%dma_wait3A_43 : memref<12800xf32, #tpu.memory_space<hbm>>)
    %parallel_loop3A_44 = arith.constant 0 : i32
    %parallel_loop3A_45 = arith.constant 12800 : i32
    %parallel_loop3A_46 = arith.constant 16 : i32
    scf.for %parallel_loop3A_152 = %parallel_loop3A_44 to %parallel_loop3A_45 step %parallel_loop3A_46  : i32 {
      %parallel_loop3A_153 = arith.index_cast %parallel_loop3A_152 : i32 to index
      %parallel_loop3A_154 = tpu.vector_load %arg8[%parallel_loop3A_153] {strides = array<i32>} : memref<12800xi32, #tpu.memory_space<vmem>>, vector<16xi32>,
      %parallel_loop3A_155 = tpu.vector_load_idx %arg6[%parallel_loop3A_154] : memref<64xf32, #tpu.memory_space<vmem>>[vector<16xi32>], vector<16xf32>,
      %parallel_loop3A_156 = arith.index_cast %parallel_loop3A_152 : i32 to index
      %parallel_loop3A_157 = tpu.vector_load %arg10[%parallel_loop3A_156] {strides = array<i32>} : memref<12800xf32, #tpu.memory_space<vmem>>, vector<16xf32>,
      tpu.vector_store %arg10[%parallel_loop3A_156], %parallel_loop3A_155 {strides = array<i32>} : memref<12800xf32, #tpu.memory_space<vmem>>, vector<16xf32>,
      %parallel_loop3A_158 = tpu.vector_load_idx %arg7[%parallel_loop3A_154] : memref<64xf32, #tpu.memory_space<vmem>>[vector<16xi32>], vector<16xf32>,
      %parallel_loop3A_159 = arith.index_cast %parallel_loop3A_152 : i32 to index
      %parallel_loop3A_160 = tpu.vector_load %arg12[%parallel_loop3A_159] {strides = array<i32>} : memref<12800xf32, #tpu.memory_space<vmem>>, vector<16xf32>,
      tpu.vector_store %arg12[%parallel_loop3A_159], %parallel_loop3A_158 {strides = array<i32>} : memref<12800xf32, #tpu.memory_space<vmem>>, vector<16xf32>,
    } {sc.loop_unroll_factor = 8 : i64, sc.parallel_access}
    %add3A_47 = arith.constant 25600 : i32
    %add3A_48 = arith.addi %mul3A_2, %add3A_47 : i32
    %dma_start3A_49 = tpu.memref_slice %arg4[%add3A_48] : memref<3276800xf32, #tpu.memory_space<hbm>> -> memref<12800xf32, #tpu.memory_space<hbm>>
    %dma_start3A_50 = tpu.memref_slice %arg4[%add3A_48] : memref<3276800xf32, #tpu.memory_space<hbm>> -> memref<12800xf32, #tpu.memory_space<hbm>>
    tpu.enqueue_dma source(%arg10 : memref<12800xf32, #tpu.memory_space<vmem>>) target(%dma_start3A_50 : memref<12800xf32, #tpu.memory_space<hbm>>) target_semaphore(%arg16 : memref<!tpu.dma_semaphore, #tpu.memory_space<semaphore_mem>>)
    %dma_start3A_51 = tpu.memref_slice %arg5[%add3A_48] : memref<3276800xf32, #tpu.memory_space<hbm>> -> memref<12800xf32, #tpu.memory_space<hbm>>
    %dma_start3A_52 = tpu.memref_slice %arg5[%add3A_48] : memref<3276800xf32, #tpu.memory_space<hbm>> -> memref<12800xf32, #tpu.memory_space<hbm>>
    tpu.enqueue_dma source(%arg12 : memref<12800xf32, #tpu.memory_space<vmem>>) target(%dma_start3A_52 : memref<12800xf32, #tpu.memory_space<hbm>>) target_semaphore(%arg16 : memref<!tpu.dma_semaphore, #tpu.memory_space<semaphore_mem>>)
    %add3A_53 = arith.constant 51200 : i32
    %add3A_54 = arith.addi %mul3A_2, %add3A_53 : i32
    %dma_start3A_55 = tpu.memref_slice %arg3[%add3A_54] : memref<3276800xi32, #tpu.memory_space<hbm>> -> memref<12800xi32, #tpu.memory_space<hbm>>
    %dma_start3A_56 = tpu.memref_slice %arg3[%add3A_54] : memref<3276800xi32, #tpu.memory_space<hbm>> -> memref<12800xi32, #tpu.memory_space<hbm>>
    tpu.enqueue_dma source(%dma_start3A_56 : memref<12800xi32, #tpu.memory_space<hbm>>) target(%arg8 : memref<12800xi32, #tpu.memory_space<vmem>>) target_semaphore(%arg14 : memref<!tpu.dma_semaphore, #tpu.memory_space<semaphore_mem>>)
    %dma_wait3A_57 = tpu.memref_slice %arg3[%add3A_35] : memref<3276800xi32, #tpu.memory_space<hbm>> -> memref<12800xi32, #tpu.memory_space<hbm>>
    %dma_wait3A_58 = tpu.memref_slice %arg3[%add3A_35] : memref<3276800xi32, #tpu.memory_space<hbm>> -> memref<12800xi32, #tpu.memory_space<hbm>>
    tpu.wait_dma2 semaphore(%arg15 : memref<!tpu.dma_semaphore, #tpu.memory_space<semaphore_mem>>) src(%dma_wait3A_58 : memref<12800xi32, #tpu.memory_space<hbm>>) dst(%arg9 : memref<12800xi32, #tpu.memory_space<vmem>>)
    %dma_wait3A_59 = tpu.memref_slice %arg4[%add3A_29] : memref<3276800xf32, #tpu.memory_space<hbm>> -> memref<12800xf32, #tpu.memory_space<hbm>>
    %dma_wait3A_60 = tpu.memref_slice %arg4[%add3A_29] : memref<3276800xf32, #tpu.memory_space<hbm>> -> memref<12800xf32, #tpu.memory_space<hbm>>
    tpu.wait_dma2 semaphore(%arg17 : memref<!tpu.dma_semaphore, #tpu.memory_space<semaphore_mem>>) src(%arg11 : memref<12800xf32, #tpu.memory_space<vmem>>) dst(%dma_wait3A_60 : memref<12800xf32, #tpu.memory_space<hbm>>)
    %dma_wait3A_61 = tpu.memref_slice %arg5[%add3A_29] : memref<3276800xf32, #tpu.memory_space<hbm>> -> memref<12800xf32, #tpu.memory_space<hbm>>
    %dma_wait3A_62 = tpu.memref_slice %arg5[%add3A_29] : memref<3276800xf32, #tpu.memory_space<hbm>> -> memref<12800xf32, #tpu.memory_space<hbm>>
    tpu.wait_dma2 semaphore(%arg17 : memref<!tpu.dma_semaphore, #tpu.memory_space<semaphore_mem>>) src(%arg13 : memref<12800xf32, #tpu.memory_space<vmem>>) dst(%dma_wait3A_62 : memref<12800xf32, #tpu.memory_space<hbm>>)
    %parallel_loop3A_63 = arith.constant 0 : i32
    %parallel_loop3A_64 = arith.constant 12800 : i32
    %parallel_loop3A_65 = arith.constant 16 : i32
    scf.for %parallel_loop3A_152 = %parallel_loop3A_63 to %parallel_loop3A_64 step %parallel_loop3A_65  : i32 {
      %parallel_loop3A_153 = arith.index_cast %parallel_loop3A_152 : i32 to index
      %parallel_loop3A_154 = tpu.vector_load %arg9[%parallel_loop3A_153] {strides = array<i32>} : memref<12800xi32, #tpu.memory_space<vmem>>, vector<16xi32>,
      %parallel_loop3A_155 = tpu.vector_load_idx %arg6[%parallel_loop3A_154] : memref<64xf32, #tpu.memory_space<vmem>>[vector<16xi32>], vector<16xf32>,
      %parallel_loop3A_156 = arith.index_cast %parallel_loop3A_152 : i32 to index
      %parallel_loop3A_157 = tpu.vector_load %arg11[%parallel_loop3A_156] {strides = array<i32>} : memref<12800xf32, #tpu.memory_space<vmem>>, vector<16xf32>,
      tpu.vector_store %arg11[%parallel_loop3A_156], %parallel_loop3A_155 {strides = array<i32>} : memref<12800xf32, #tpu.memory_space<vmem>>, vector<16xf32>,
      %parallel_loop3A_158 = tpu.vector_load_idx %arg7[%parallel_loop3A_154] : memref<64xf32, #tpu.memory_space<vmem>>[vector<16xi32>], vector<16xf32>,
      %parallel_loop3A_159 = arith.index_cast %parallel_loop3A_152 : i32 to index
      %parallel_loop3A_160 = tpu.vector_load %arg13[%parallel_loop3A_159] {strides = array<i32>} : memref<12800xf32, #tpu.memory_space<vmem>>, vector<16xf32>,
      tpu.vector_store %arg13[%parallel_loop3A_159], %parallel_loop3A_158 {strides = array<i32>} : memref<12800xf32, #tpu.memory_space<vmem>>, vector<16xf32>,
    } {sc.loop_unroll_factor = 8 : i64, sc.parallel_access}
    %add3A_66 = arith.constant 38400 : i32
    %add3A_67 = arith.addi %mul3A_2, %add3A_66 : i32
    %dma_start3A_68 = tpu.memref_slice %arg4[%add3A_67] : memref<3276800xf32, #tpu.memory_space<hbm>> -> memref<12800xf32, #tpu.memory_space<hbm>>
    %dma_start3A_69 = tpu.memref_slice %arg4[%add3A_67] : memref<3276800xf32, #tpu.memory_space<hbm>> -> memref<12800xf32, #tpu.memory_space<hbm>>
    tpu.enqueue_dma source(%arg11 : memref<12800xf32, #tpu.memory_space<vmem>>) target(%dma_start3A_69 : memref<12800xf32, #tpu.memory_space<hbm>>) target_semaphore(%arg17 : memref<!tpu.dma_semaphore, #tpu.memory_space<semaphore_mem>>)
    %dma_start3A_70 = tpu.memref_slice %arg5[%add3A_67] : memref<3276800xf32, #tpu.memory_space<hbm>> -> memref<12800xf32, #tpu.memory_space<hbm>>
    %dma_start3A_71 = tpu.memref_slice %arg5[%add3A_67] : memref<3276800xf32, #tpu.memory_space<hbm>> -> memref<12800xf32, #tpu.memory_space<hbm>>
    tpu.enqueue_dma source(%arg13 : memref<12800xf32, #tpu.memory_space<vmem>>) target(%dma_start3A_71 : memref<12800xf32, #tpu.memory_space<hbm>>) target_semaphore(%arg17 : memref<!tpu.dma_semaphore, #tpu.memory_space<semaphore_mem>>)
    %add3A_72 = arith.constant 64000 : i32
    %add3A_73 = arith.addi %mul3A_2, %add3A_72 : i32
    %dma_start3A_74 = tpu.memref_slice %arg3[%add3A_73] : memref<3276800xi32, #tpu.memory_space<hbm>> -> memref<12800xi32, #tpu.memory_space<hbm>>
    %dma_start3A_75 = tpu.memref_slice %arg3[%add3A_73] : memref<3276800xi32, #tpu.memory_space<hbm>> -> memref<12800xi32, #tpu.memory_space<hbm>>
    tpu.enqueue_dma source(%dma_start3A_75 : memref<12800xi32, #tpu.memory_space<hbm>>) target(%arg9 : memref<12800xi32, #tpu.memory_space<vmem>>) target_semaphore(%arg15 : memref<!tpu.dma_semaphore, #tpu.memory_space<semaphore_mem>>)
    %dma_wait3A_76 = tpu.memref_slice %arg3[%add3A_54] : memref<3276800xi32, #tpu.memory_space<hbm>> -> memref<12800xi32, #tpu.memory_space<hbm>>
    %dma_wait3A_77 = tpu.memref_slice %arg3[%add3A_54] : memref<3276800xi32, #tpu.memory_space<hbm>> -> memref<12800xi32, #tpu.memory_space<hbm>>
    tpu.wait_dma2 semaphore(%arg14 : memref<!tpu.dma_semaphore, #tpu.memory_space<semaphore_mem>>) src(%dma_wait3A_77 : memref<12800xi32, #tpu.memory_space<hbm>>) dst(%arg8 : memref<12800xi32, #tpu.memory_space<vmem>>)
    %dma_wait3A_78 = tpu.memref_slice %arg4[%add3A_48] : memref<3276800xf32, #tpu.memory_space<hbm>> -> memref<12800xf32, #tpu.memory_space<hbm>>
    %dma_wait3A_79 = tpu.memref_slice %arg4[%add3A_48] : memref<3276800xf32, #tpu.memory_space<hbm>> -> memref<12800xf32, #tpu.memory_space<hbm>>
    tpu.wait_dma2 semaphore(%arg16 : memref<!tpu.dma_semaphore, #tpu.memory_space<semaphore_mem>>) src(%arg10 : memref<12800xf32, #tpu.memory_space<vmem>>) dst(%dma_wait3A_79 : memref<12800xf32, #tpu.memory_space<hbm>>)
    %dma_wait3A_80 = tpu.memref_slice %arg5[%add3A_48] : memref<3276800xf32, #tpu.memory_space<hbm>> -> memref<12800xf32, #tpu.memory_space<hbm>>
    %dma_wait3A_81 = tpu.memref_slice %arg5[%add3A_48] : memref<3276800xf32, #tpu.memory_space<hbm>> -> memref<12800xf32, #tpu.memory_space<hbm>>
    tpu.wait_dma2 semaphore(%arg16 : memref<!tpu.dma_semaphore, #tpu.memory_space<semaphore_mem>>) src(%arg12 : memref<12800xf32, #tpu.memory_space<vmem>>) dst(%dma_wait3A_81 : memref<12800xf32, #tpu.memory_space<hbm>>)
    %parallel_loop3A_82 = arith.constant 0 : i32
    %parallel_loop3A_83 = arith.constant 12800 : i32
    %parallel_loop3A_84 = arith.constant 16 : i32
    scf.for %parallel_loop3A_152 = %parallel_loop3A_82 to %parallel_loop3A_83 step %parallel_loop3A_84  : i32 {
      %parallel_loop3A_153 = arith.index_cast %parallel_loop3A_152 : i32 to index
      %parallel_loop3A_154 = tpu.vector_load %arg8[%parallel_loop3A_153] {strides = array<i32>} : memref<12800xi32, #tpu.memory_space<vmem>>, vector<16xi32>,
      %parallel_loop3A_155 = tpu.vector_load_idx %arg6[%parallel_loop3A_154] : memref<64xf32, #tpu.memory_space<vmem>>[vector<16xi32>], vector<16xf32>,
      %parallel_loop3A_156 = arith.index_cast %parallel_loop3A_152 : i32 to index
      %parallel_loop3A_157 = tpu.vector_load %arg10[%parallel_loop3A_156] {strides = array<i32>} : memref<12800xf32, #tpu.memory_space<vmem>>, vector<16xf32>,
      tpu.vector_store %arg10[%parallel_loop3A_156], %parallel_loop3A_155 {strides = array<i32>} : memref<12800xf32, #tpu.memory_space<vmem>>, vector<16xf32>,
      %parallel_loop3A_158 = tpu.vector_load_idx %arg7[%parallel_loop3A_154] : memref<64xf32, #tpu.memory_space<vmem>>[vector<16xi32>], vector<16xf32>,
      %parallel_loop3A_159 = arith.index_cast %parallel_loop3A_152 : i32 to index
      %parallel_loop3A_160 = tpu.vector_load %arg12[%parallel_loop3A_159] {strides = array<i32>} : memref<12800xf32, #tpu.memory_space<vmem>>, vector<16xf32>,
      tpu.vector_store %arg12[%parallel_loop3A_159], %parallel_loop3A_158 {strides = array<i32>} : memref<12800xf32, #tpu.memory_space<vmem>>, vector<16xf32>,
    } {sc.loop_unroll_factor = 8 : i64, sc.parallel_access}
    %add3A_85 = arith.constant 51200 : i32
    %add3A_86 = arith.addi %mul3A_2, %add3A_85 : i32
    %dma_start3A_87 = tpu.memref_slice %arg4[%add3A_86] : memref<3276800xf32, #tpu.memory_space<hbm>> -> memref<12800xf32, #tpu.memory_space<hbm>>
    %dma_start3A_88 = tpu.memref_slice %arg4[%add3A_86] : memref<3276800xf32, #tpu.memory_space<hbm>> -> memref<12800xf32, #tpu.memory_space<hbm>>
    tpu.enqueue_dma source(%arg10 : memref<12800xf32, #tpu.memory_space<vmem>>) target(%dma_start3A_88 : memref<12800xf32, #tpu.memory_space<hbm>>) target_semaphore(%arg16 : memref<!tpu.dma_semaphore, #tpu.memory_space<semaphore_mem>>)
    %dma_start3A_89 = tpu.memref_slice %arg5[%add3A_86] : memref<3276800xf32, #tpu.memory_space<hbm>> -> memref<12800xf32, #tpu.memory_space<hbm>>
    %dma_start3A_90 = tpu.memref_slice %arg5[%add3A_86] : memref<3276800xf32, #tpu.memory_space<hbm>> -> memref<12800xf32, #tpu.memory_space<hbm>>
    tpu.enqueue_dma source(%arg12 : memref<12800xf32, #tpu.memory_space<vmem>>) target(%dma_start3A_90 : memref<12800xf32, #tpu.memory_space<hbm>>) target_semaphore(%arg16 : memref<!tpu.dma_semaphore, #tpu.memory_space<semaphore_mem>>)
    %add3A_91 = arith.constant 76800 : i32
    %add3A_92 = arith.addi %mul3A_2, %add3A_91 : i32
    %dma_start3A_93 = tpu.memref_slice %arg3[%add3A_92] : memref<3276800xi32, #tpu.memory_space<hbm>> -> memref<12800xi32, #tpu.memory_space<hbm>>
    %dma_start3A_94 = tpu.memref_slice %arg3[%add3A_92] : memref<3276800xi32, #tpu.memory_space<hbm>> -> memref<12800xi32, #tpu.memory_space<hbm>>
    tpu.enqueue_dma source(%dma_start3A_94 : memref<12800xi32, #tpu.memory_space<hbm>>) target(%arg8 : memref<12800xi32, #tpu.memory_space<vmem>>) target_semaphore(%arg14 : memref<!tpu.dma_semaphore, #tpu.memory_space<semaphore_mem>>)
    %dma_wait3A_95 = tpu.memref_slice %arg3[%add3A_73] : memref<3276800xi32, #tpu.memory_space<hbm>> -> memref<12800xi32, #tpu.memory_space<hbm>>
    %dma_wait3A_96 = tpu.memref_slice %arg3[%add3A_73] : memref<3276800xi32, #tpu.memory_space<hbm>> -> memref<12800xi32, #tpu.memory_space<hbm>>
    tpu.wait_dma2 semaphore(%arg15 : memref<!tpu.dma_semaphore, #tpu.memory_space<semaphore_mem>>) src(%dma_wait3A_96 : memref<12800xi32, #tpu.memory_space<hbm>>) dst(%arg9 : memref<12800xi32, #tpu.memory_space<vmem>>)
    %dma_wait3A_97 = tpu.memref_slice %arg4[%add3A_67] : memref<3276800xf32, #tpu.memory_space<hbm>> -> memref<12800xf32, #tpu.memory_space<hbm>>
    %dma_wait3A_98 = tpu.memref_slice %arg4[%add3A_67] : memref<3276800xf32, #tpu.memory_space<hbm>> -> memref<12800xf32, #tpu.memory_space<hbm>>
    tpu.wait_dma2 semaphore(%arg17 : memref<!tpu.dma_semaphore, #tpu.memory_space<semaphore_mem>>) src(%arg11 : memref<12800xf32, #tpu.memory_space<vmem>>) dst(%dma_wait3A_98 : memref<12800xf32, #tpu.memory_space<hbm>>)
    %dma_wait3A_99 = tpu.memref_slice %arg5[%add3A_67] : memref<3276800xf32, #tpu.memory_space<hbm>> -> memref<12800xf32, #tpu.memory_space<hbm>>
    %dma_wait3A_100 = tpu.memref_slice %arg5[%add3A_67] : memref<3276800xf32, #tpu.memory_space<hbm>> -> memref<12800xf32, #tpu.memory_space<hbm>>
    tpu.wait_dma2 semaphore(%arg17 : memref<!tpu.dma_semaphore, #tpu.memory_space<semaphore_mem>>) src(%arg13 : memref<12800xf32, #tpu.memory_space<vmem>>) dst(%dma_wait3A_100 : memref<12800xf32, #tpu.memory_space<hbm>>)
    %parallel_loop3A_101 = arith.constant 0 : i32
    %parallel_loop3A_102 = arith.constant 12800 : i32
    %parallel_loop3A_103 = arith.constant 16 : i32
    scf.for %parallel_loop3A_152 = %parallel_loop3A_101 to %parallel_loop3A_102 step %parallel_loop3A_103  : i32 {
      %parallel_loop3A_153 = arith.index_cast %parallel_loop3A_152 : i32 to index
      %parallel_loop3A_154 = tpu.vector_load %arg9[%parallel_loop3A_153] {strides = array<i32>} : memref<12800xi32, #tpu.memory_space<vmem>>, vector<16xi32>,
      %parallel_loop3A_155 = tpu.vector_load_idx %arg6[%parallel_loop3A_154] : memref<64xf32, #tpu.memory_space<vmem>>[vector<16xi32>], vector<16xf32>,
      %parallel_loop3A_156 = arith.index_cast %parallel_loop3A_152 : i32 to index
      %parallel_loop3A_157 = tpu.vector_load %arg11[%parallel_loop3A_156] {strides = array<i32>} : memref<12800xf32, #tpu.memory_space<vmem>>, vector<16xf32>,
      tpu.vector_store %arg11[%parallel_loop3A_156], %parallel_loop3A_155 {strides = array<i32>} : memref<12800xf32, #tpu.memory_space<vmem>>, vector<16xf32>,
      %parallel_loop3A_158 = tpu.vector_load_idx %arg7[%parallel_loop3A_154] : memref<64xf32, #tpu.memory_space<vmem>>[vector<16xi32>], vector<16xf32>,
      %parallel_loop3A_159 = arith.index_cast %parallel_loop3A_152 : i32 to index
      %parallel_loop3A_160 = tpu.vector_load %arg13[%parallel_loop3A_159] {strides = array<i32>} : memref<12800xf32, #tpu.memory_space<vmem>>, vector<16xf32>,
      tpu.vector_store %arg13[%parallel_loop3A_159], %parallel_loop3A_158 {strides = array<i32>} : memref<12800xf32, #tpu.memory_space<vmem>>, vector<16xf32>,
    } {sc.loop_unroll_factor = 8 : i64, sc.parallel_access}
    %add3A_104 = arith.constant 64000 : i32
    %add3A_105 = arith.addi %mul3A_2, %add3A_104 : i32
    %dma_start3A_106 = tpu.memref_slice %arg4[%add3A_105] : memref<3276800xf32, #tpu.memory_space<hbm>> -> memref<12800xf32, #tpu.memory_space<hbm>>
    %dma_start3A_107 = tpu.memref_slice %arg4[%add3A_105] : memref<3276800xf32, #tpu.memory_space<hbm>> -> memref<12800xf32, #tpu.memory_space<hbm>>
    tpu.enqueue_dma source(%arg11 : memref<12800xf32, #tpu.memory_space<vmem>>) target(%dma_start3A_107 : memref<12800xf32, #tpu.memory_space<hbm>>) target_semaphore(%arg17 : memref<!tpu.dma_semaphore, #tpu.memory_space<semaphore_mem>>)
    %dma_start3A_108 = tpu.memref_slice %arg5[%add3A_105] : memref<3276800xf32, #tpu.memory_space<hbm>> -> memref<12800xf32, #tpu.memory_space<hbm>>
    %dma_start3A_109 = tpu.memref_slice %arg5[%add3A_105] : memref<3276800xf32, #tpu.memory_space<hbm>> -> memref<12800xf32, #tpu.memory_space<hbm>>
    tpu.enqueue_dma source(%arg13 : memref<12800xf32, #tpu.memory_space<vmem>>) target(%dma_start3A_109 : memref<12800xf32, #tpu.memory_space<hbm>>) target_semaphore(%arg17 : memref<!tpu.dma_semaphore, #tpu.memory_space<semaphore_mem>>)
    %add3A_110 = arith.constant 89600 : i32
    %add3A_111 = arith.addi %mul3A_2, %add3A_110 : i32
    %dma_start3A_112 = tpu.memref_slice %arg3[%add3A_111] : memref<3276800xi32, #tpu.memory_space<hbm>> -> memref<12800xi32, #tpu.memory_space<hbm>>
    %dma_start3A_113 = tpu.memref_slice %arg3[%add3A_111] : memref<3276800xi32, #tpu.memory_space<hbm>> -> memref<12800xi32, #tpu.memory_space<hbm>>
    tpu.enqueue_dma source(%dma_start3A_113 : memref<12800xi32, #tpu.memory_space<hbm>>) target(%arg9 : memref<12800xi32, #tpu.memory_space<vmem>>) target_semaphore(%arg15 : memref<!tpu.dma_semaphore, #tpu.memory_space<semaphore_mem>>)
    %dma_wait3A_114 = tpu.memref_slice %arg3[%add3A_92] : memref<3276800xi32, #tpu.memory_space<hbm>> -> memref<12800xi32, #tpu.memory_space<hbm>>
    %dma_wait3A_115 = tpu.memref_slice %arg3[%add3A_92] : memref<3276800xi32, #tpu.memory_space<hbm>> -> memref<12800xi32, #tpu.memory_space<hbm>>
    tpu.wait_dma2 semaphore(%arg14 : memref<!tpu.dma_semaphore, #tpu.memory_space<semaphore_mem>>) src(%dma_wait3A_115 : memref<12800xi32, #tpu.memory_space<hbm>>) dst(%arg8 : memref<12800xi32, #tpu.memory_space<vmem>>)
    %dma_wait3A_116 = tpu.memref_slice %arg4[%add3A_86] : memref<3276800xf32, #tpu.memory_space<hbm>> -> memref<12800xf32, #tpu.memory_space<hbm>>
    %dma_wait3A_117 = tpu.memref_slice %arg4[%add3A_86] : memref<3276800xf32, #tpu.memory_space<hbm>> -> memref<12800xf32, #tpu.memory_space<hbm>>
    tpu.wait_dma2 semaphore(%arg16 : memref<!tpu.dma_semaphore, #tpu.memory_space<semaphore_mem>>) src(%arg10 : memref<12800xf32, #tpu.memory_space<vmem>>) dst(%dma_wait3A_117 : memref<12800xf32, #tpu.memory_space<hbm>>)
    %dma_wait3A_118 = tpu.memref_slice %arg5[%add3A_86] : memref<3276800xf32, #tpu.memory_space<hbm>> -> memref<12800xf32, #tpu.memory_space<hbm>>
    %dma_wait3A_119 = tpu.memref_slice %arg5[%add3A_86] : memref<3276800xf32, #tpu.memory_space<hbm>> -> memref<12800xf32, #tpu.memory_space<hbm>>
    tpu.wait_dma2 semaphore(%arg16 : memref<!tpu.dma_semaphore, #tpu.memory_space<semaphore_mem>>) src(%arg12 : memref<12800xf32, #tpu.memory_space<vmem>>) dst(%dma_wait3A_119 : memref<12800xf32, #tpu.memory_space<hbm>>)
    %parallel_loop3A_120 = arith.constant 0 : i32
    %parallel_loop3A_121 = arith.constant 12800 : i32
    %parallel_loop3A_122 = arith.constant 16 : i32
    scf.for %parallel_loop3A_152 = %parallel_loop3A_120 to %parallel_loop3A_121 step %parallel_loop3A_122  : i32 {
      %parallel_loop3A_153 = arith.index_cast %parallel_loop3A_152 : i32 to index
      %parallel_loop3A_154 = tpu.vector_load %arg8[%parallel_loop3A_153] {strides = array<i32>} : memref<12800xi32, #tpu.memory_space<vmem>>, vector<16xi32>,
      %parallel_loop3A_155 = tpu.vector_load_idx %arg6[%parallel_loop3A_154] : memref<64xf32, #tpu.memory_space<vmem>>[vector<16xi32>], vector<16xf32>,
      %parallel_loop3A_156 = arith.index_cast %parallel_loop3A_152 : i32 to index
      %parallel_loop3A_157 = tpu.vector_load %arg10[%parallel_loop3A_156] {strides = array<i32>} : memref<12800xf32, #tpu.memory_space<vmem>>, vector<16xf32>,
      tpu.vector_store %arg10[%parallel_loop3A_156], %parallel_loop3A_155 {strides = array<i32>} : memref<12800xf32, #tpu.memory_space<vmem>>, vector<16xf32>,
      %parallel_loop3A_158 = tpu.vector_load_idx %arg7[%parallel_loop3A_154] : memref<64xf32, #tpu.memory_space<vmem>>[vector<16xi32>], vector<16xf32>,
      %parallel_loop3A_159 = arith.index_cast %parallel_loop3A_152 : i32 to index
      %parallel_loop3A_160 = tpu.vector_load %arg12[%parallel_loop3A_159] {strides = array<i32>} : memref<12800xf32, #tpu.memory_space<vmem>>, vector<16xf32>,
      tpu.vector_store %arg12[%parallel_loop3A_159], %parallel_loop3A_158 {strides = array<i32>} : memref<12800xf32, #tpu.memory_space<vmem>>, vector<16xf32>,
    } {sc.loop_unroll_factor = 8 : i64, sc.parallel_access}
    %add3A_123 = arith.constant 76800 : i32
    %add3A_124 = arith.addi %mul3A_2, %add3A_123 : i32
    %dma_start3A_125 = tpu.memref_slice %arg4[%add3A_124] : memref<3276800xf32, #tpu.memory_space<hbm>> -> memref<12800xf32, #tpu.memory_space<hbm>>
    %dma_start3A_126 = tpu.memref_slice %arg4[%add3A_124] : memref<3276800xf32, #tpu.memory_space<hbm>> -> memref<12800xf32, #tpu.memory_space<hbm>>
    tpu.enqueue_dma source(%arg10 : memref<12800xf32, #tpu.memory_space<vmem>>) target(%dma_start3A_126 : memref<12800xf32, #tpu.memory_space<hbm>>) target_semaphore(%arg16 : memref<!tpu.dma_semaphore, #tpu.memory_space<semaphore_mem>>)
    %dma_start3A_127 = tpu.memref_slice %arg5[%add3A_124] : memref<3276800xf32, #tpu.memory_space<hbm>> -> memref<12800xf32, #tpu.memory_space<hbm>>
    %dma_start3A_128 = tpu.memref_slice %arg5[%add3A_124] : memref<3276800xf32, #tpu.memory_space<hbm>> -> memref<12800xf32, #tpu.memory_space<hbm>>
    tpu.enqueue_dma source(%arg12 : memref<12800xf32, #tpu.memory_space<vmem>>) target(%dma_start3A_128 : memref<12800xf32, #tpu.memory_space<hbm>>) target_semaphore(%arg16 : memref<!tpu.dma_semaphore, #tpu.memory_space<semaphore_mem>>)
    %dma_wait3A_129 = tpu.memref_slice %arg3[%add3A_111] : memref<3276800xi32, #tpu.memory_space<hbm>> -> memref<12800xi32, #tpu.memory_space<hbm>>
    %dma_wait3A_130 = tpu.memref_slice %arg3[%add3A_111] : memref<3276800xi32, #tpu.memory_space<hbm>> -> memref<12800xi32, #tpu.memory_space<hbm>>
    tpu.wait_dma2 semaphore(%arg15 : memref<!tpu.dma_semaphore, #tpu.memory_space<semaphore_mem>>) src(%dma_wait3A_130 : memref<12800xi32, #tpu.memory_space<hbm>>) dst(%arg9 : memref<12800xi32, #tpu.memory_space<vmem>>)
    %dma_wait3A_131 = tpu.memref_slice %arg4[%add3A_105] : memref<3276800xf32, #tpu.memory_space<hbm>> -> memref<12800xf32, #tpu.memory_space<hbm>>
    %dma_wait3A_132 = tpu.memref_slice %arg4[%add3A_105] : memref<3276800xf32, #tpu.memory_space<hbm>> -> memref<12800xf32, #tpu.memory_space<hbm>>
    tpu.wait_dma2 semaphore(%arg17 : memref<!tpu.dma_semaphore, #tpu.memory_space<semaphore_mem>>) src(%arg11 : memref<12800xf32, #tpu.memory_space<vmem>>) dst(%dma_wait3A_132 : memref<12800xf32, #tpu.memory_space<hbm>>)
    %dma_wait3A_133 = tpu.memref_slice %arg5[%add3A_105] : memref<3276800xf32, #tpu.memory_space<hbm>> -> memref<12800xf32, #tpu.memory_space<hbm>>
    %dma_wait3A_134 = tpu.memref_slice %arg5[%add3A_105] : memref<3276800xf32, #tpu.memory_space<hbm>> -> memref<12800xf32, #tpu.memory_space<hbm>>
    tpu.wait_dma2 semaphore(%arg17 : memref<!tpu.dma_semaphore, #tpu.memory_space<semaphore_mem>>) src(%arg13 : memref<12800xf32, #tpu.memory_space<vmem>>) dst(%dma_wait3A_134 : memref<12800xf32, #tpu.memory_space<hbm>>)
    %parallel_loop3A_135 = arith.constant 0 : i32
    %parallel_loop3A_136 = arith.constant 12800 : i32
    %parallel_loop3A_137 = arith.constant 16 : i32
    scf.for %parallel_loop3A_152 = %parallel_loop3A_135 to %parallel_loop3A_136 step %parallel_loop3A_137  : i32 {
      %parallel_loop3A_153 = arith.index_cast %parallel_loop3A_152 : i32 to index
      %parallel_loop3A_154 = tpu.vector_load %arg9[%parallel_loop3A_153] {strides = array<i32>} : memref<12800xi32, #tpu.memory_space<vmem>>, vector<16xi32>,
      %parallel_loop3A_155 = tpu.vector_load_idx %arg6[%parallel_loop3A_154] : memref<64xf32, #tpu.memory_space<vmem>>[vector<16xi32>], vector<16xf32>,
      %parallel_loop3A_156 = arith.index_cast %parallel_loop3A_152 : i32 to index
      %parallel_loop3A_157 = tpu.vector_load %arg11[%parallel_loop3A_156] {strides = array<i32>} : memref<12800xf32, #tpu.memory_space<vmem>>, vector<16xf32>,
      tpu.vector_store %arg11[%parallel_loop3A_156], %parallel_loop3A_155 {strides = array<i32>} : memref<12800xf32, #tpu.memory_space<vmem>>, vector<16xf32>,
      %parallel_loop3A_158 = tpu.vector_load_idx %arg7[%parallel_loop3A_154] : memref<64xf32, #tpu.memory_space<vmem>>[vector<16xi32>], vector<16xf32>,
      %parallel_loop3A_159 = arith.index_cast %parallel_loop3A_152 : i32 to index
      %parallel_loop3A_160 = tpu.vector_load %arg13[%parallel_loop3A_159] {strides = array<i32>} : memref<12800xf32, #tpu.memory_space<vmem>>, vector<16xf32>,
      tpu.vector_store %arg13[%parallel_loop3A_159], %parallel_loop3A_158 {strides = array<i32>} : memref<12800xf32, #tpu.memory_space<vmem>>, vector<16xf32>,
    } {sc.loop_unroll_factor = 8 : i64, sc.parallel_access}
    %add3A_138 = arith.constant 89600 : i32
    %add3A_139 = arith.addi %mul3A_2, %add3A_138 : i32
    %dma_start3A_140 = tpu.memref_slice %arg4[%add3A_139] : memref<3276800xf32, #tpu.memory_space<hbm>> -> memref<12800xf32, #tpu.memory_space<hbm>>
    %dma_start3A_141 = tpu.memref_slice %arg4[%add3A_139] : memref<3276800xf32, #tpu.memory_space<hbm>> -> memref<12800xf32, #tpu.memory_space<hbm>>
    tpu.enqueue_dma source(%arg11 : memref<12800xf32, #tpu.memory_space<vmem>>) target(%dma_start3A_141 : memref<12800xf32, #tpu.memory_space<hbm>>) target_semaphore(%arg17 : memref<!tpu.dma_semaphore, #tpu.memory_space<semaphore_mem>>)
    %dma_start3A_142 = tpu.memref_slice %arg5[%add3A_139] : memref<3276800xf32, #tpu.memory_space<hbm>> -> memref<12800xf32, #tpu.memory_space<hbm>>
    %dma_start3A_143 = tpu.memref_slice %arg5[%add3A_139] : memref<3276800xf32, #tpu.memory_space<hbm>> -> memref<12800xf32, #tpu.memory_space<hbm>>
    tpu.enqueue_dma source(%arg13 : memref<12800xf32, #tpu.memory_space<vmem>>) target(%dma_start3A_143 : memref<12800xf32, #tpu.memory_space<hbm>>) target_semaphore(%arg17 : memref<!tpu.dma_semaphore, #tpu.memory_space<semaphore_mem>>)
    %dma_wait3A_144 = tpu.memref_slice %arg4[%add3A_124] : memref<3276800xf32, #tpu.memory_space<hbm>> -> memref<12800xf32, #tpu.memory_space<hbm>>
    %dma_wait3A_145 = tpu.memref_slice %arg4[%add3A_124] : memref<3276800xf32, #tpu.memory_space<hbm>> -> memref<12800xf32, #tpu.memory_space<hbm>>
    tpu.wait_dma2 semaphore(%arg16 : memref<!tpu.dma_semaphore, #tpu.memory_space<semaphore_mem>>) src(%arg10 : memref<12800xf32, #tpu.memory_space<vmem>>) dst(%dma_wait3A_145 : memref<12800xf32, #tpu.memory_space<hbm>>)
    %dma_wait3A_146 = tpu.memref_slice %arg5[%add3A_124] : memref<3276800xf32, #tpu.memory_space<hbm>> -> memref<12800xf32, #tpu.memory_space<hbm>>
    %dma_wait3A_147 = tpu.memref_slice %arg5[%add3A_124] : memref<3276800xf32, #tpu.memory_space<hbm>> -> memref<12800xf32, #tpu.memory_space<hbm>>
    tpu.wait_dma2 semaphore(%arg16 : memref<!tpu.dma_semaphore, #tpu.memory_space<semaphore_mem>>) src(%arg12 : memref<12800xf32, #tpu.memory_space<vmem>>) dst(%dma_wait3A_147 : memref<12800xf32, #tpu.memory_space<hbm>>)
    %dma_wait3A_148 = tpu.memref_slice %arg4[%add3A_139] : memref<3276800xf32, #tpu.memory_space<hbm>> -> memref<12800xf32, #tpu.memory_space<hbm>>
    %dma_wait3A_149 = tpu.memref_slice %arg4[%add3A_139] : memref<3276800xf32, #tpu.memory_space<hbm>> -> memref<12800xf32, #tpu.memory_space<hbm>>
    tpu.wait_dma2 semaphore(%arg17 : memref<!tpu.dma_semaphore, #tpu.memory_space<semaphore_mem>>) src(%arg11 : memref<12800xf32, #tpu.memory_space<vmem>>) dst(%dma_wait3A_149 : memref<12800xf32, #tpu.memory_space<hbm>>)
    %dma_wait3A_150 = tpu.memref_slice %arg5[%add3A_139] : memref<3276800xf32, #tpu.memory_space<hbm>> -> memref<12800xf32, #tpu.memory_space<hbm>>
    %dma_wait3A_151 = tpu.memref_slice %arg5[%add3A_139] : memref<3276800xf32, #tpu.memory_space<hbm>> -> memref<12800xf32, #tpu.memory_space<hbm>>
    tpu.wait_dma2 semaphore(%arg17 : memref<!tpu.dma_semaphore, #tpu.memory_space<semaphore_mem>>) src(%arg13 : memref<12800xf32, #tpu.memory_space<vmem>>) dst(%dma_wait3A_151 : memref<12800xf32, #tpu.memory_space<hbm>>)
    return
  }
}

</mosaic_0001>

<sc_bundles>
// kernel: _qam_lookup.3.cloned.1.call-start
scs
__scs_entry_jumppad:
0x0: {  	(pc) =	sbr.rel $0x88, $3  }
0x1: {  	(tag) =	ssettag $0x0;
	lr =	simm.s32 $0x1  }
0x2: {  	[smem:$0x3F9F] =	sst lr;
	_ =	strace $0xD0000000  }
0x3: {  	_ = 	snop  }
0x4: {  	_ = 	snop  }
0x5: {  	_ = 	snop  }
0x6: {  	_ = 	snop  }
0x7: {  	_ = 	snop  }
__scs_overlays_trampoline_lowered:
0x8: {  	[smem:$0x3FAE] =	sst s0  }
0x9: {  	[smem:$0x3FAF] =	sst s1  }
0xa: {  	[smem:$0x3FB0] =	sst s2  }
0xb: {  	[smem:$0x3FB1] =	sst s3  }
0xc: {  	[smem:$0x3FB2] =	sst s4  }
0xd: {  	[smem:$0x3FB3] =	sst s5  }
0xe: {  	[smem:$0x3FB4] =	sst s6  }
0xf: {  	[smem:$0x3FB5] =	sst s7  }
0x10: {  	[smem:$0x3FB6] =	sst s8  }
0x11: {  	[smem:$0x3FB7] =	sst s9;
	s0 =	simm.s32 @!p0 $0x0  }
0x12: {  	s1 =	sld [smem:$0x3F9D];
	s0 =	simm.s32 @p0 $0x1  }
0x13: {  	[smem:$0x3FB8] =	sst s0;
	s0 =	simm.s32 @!p1 $0x0  }
0x14: {  	s2 =	sld [smem:$0x3F9C];
	s0 =	simm.s32 @p1 $0x1  }
0x15: {  	[smem:$0x3FB9] =	sst s0;
	s0 =	simm.s32 @!p2 $0x0  }
0x16: {  	s3 =	sld [smem:$0x3FDB];
	s0 =	simm.s32 @p2 $0x1  }
0x17: {  	s4 =	simm.s32 $0x1BF5;
	[smem:$0x3FBB] =	sst s0  }
0x18: {  	s0 =	sld [smem:$0x3F9E];
	_ =	swait.ge [sflag:s4], $0x0  }
0x19: {  	s7 =	sld [smem:$0x3F9F]  }
0x1a: {  	s8 =	sadd.s32 $0xFFFFE003, lr  }
0x1b: {  	s9 =	sadd.s32 $0xFFFFFEF7, lr;
	s5 =	simm.s32 $0xFFFFFFFF;
	p2 =	slt.u32 s8, $0xFFFFF086  }
0x1c: {  	p1 =	slt.u32 s9, $0xF7A;
	s5 =	simm.s32 @!p2 $0x0  }
0x1d: {  	s5 =	simm.s32 @p1 $0x1;
	p0 =	seq.s32 s7, s2  }
0x1e: {  	s7 =	smul.u32 @!p0 $0xF7A, s2;
	p2 =	seq.s32 @!p0 s5, $0x0  }
0x1f: {  	s9 =	smul.u32 $0xF7A, s1;
	s8 =	simm.s32 @!p0 $0x1BF5;
	p2 =	por !p2, p0  }
0x20: {  	[sflag:s8] =	ssyncset.s32 @!p0 $0xFFFFF086;
	s6 =	sadd.s32 @!p0 s3, s7;
	s7 =	simm.s32 @!p0 $0x108  }
0x21: {  	s3 =	sadd.s32 s3, s9;
	s6 =	sadd.s32 @!p0 $0x88, s6;
	s7 =	simm.s32 @p2 $0x1082  }
0x22: {  	[simem:s7], [sflag:s8] =	dma.local @!p0 [hbm:s6], $0xF7A  }
0x23: {  	s9 =	sor.u32 $0xD0000000, s2;
	s6 =	simm.s32 $0x108;
	_ =	swait.ge @!p0 [sflag:s8], $0x0  }
0x24: {  	s3 =	sadd.s32 $0x88, s3;
	s6 =	simm.s32 @!p1 $0x1082;
	[sflag:s4] =	ssyncset.s32 $0xFFFFF086  }
0x25: {  	[simem:s6], [sflag:s4] =	dma.local [hbm:s3], $0xF7A  }
0x26: {  	[smem:$0x3F9F] =	sst s1;
	(tag) =	ssettag s2;
	_ =	strace s9  }
0x27: {  	s1 =	sld [smem:$0x3FAF]  }
0x28: {  	s2 =	sld [smem:$0x3FB0]  }
0x29: {  	s4 =	sld [smem:$0x3FB2]  }
0x2a: {  	p0 =	seq.s32 s5, $0x0;
	s5 =	sld [smem:$0x3FB3]  }
0x2b: {  	s6 =	sld [smem:$0x3FB4]  }
0x2c: {  	s7 =	sld [smem:$0x3FB5]  }
0x2d: {  	s3 =	simm.s32 $0x108;
	s8 =	sld [smem:$0x3FB6]  }
0x2e: {  	s3 =	simm.s32 @!p0 $0x1082;
	s9 =	sld [smem:$0x3FB7]  }
0x2f: {  	lr =	sadd.s32 s0, s3;
	s0 =	sld [smem:$0x3FAE]  }
0x30: {  	s3 =	sld [smem:$0x3FB1]  }
0x31: {  	[smem:$0x3FBA] =	sst s10  }
0x32: {  	s10 =	sld [smem:$0x3FB8];
	_ =	sdelay $0x3  }
0x33: {  	p0 =	seq.s32 s10, $0x1;
	s10 =	sld [smem:$0x3FBA];
	_ =	sdelay $0x3  }
0x34: {  	[smem:$0x3FBA] =	sst s10  }
0x35: {  	s10 =	sld [smem:$0x3FB9];
	_ =	sdelay $0x3  }
0x36: {  	p1 =	seq.s32 s10, $0x1;
	s10 =	sld [smem:$0x3FBA];
	_ =	sdelay $0x3  }
0x37: {  	[smem:$0x3FBA] =	sst s10  }
0x38: {  	s10 =	sld [smem:$0x3FBB]  }
0x39: {  	_ = 	snop;
	(pc) =	sbr.ind lr, $3  }
0x3a: {  	_ = 	snop  }
0x3b: {  	_ = 	snop  }
0x3c: {  	p2 =	seq.s32 s10, $0x1;
	s10 =	sld [smem:$0x3FBA]  }
0x3d: {  	_ =	shalt  }
0x3e: {  	_ =	shalt  }
0x3f: {  	_ =	shalt  }
0x40: {  	_ =	shalt  }
0x41: {  	_ =	shalt  }
0x42: {  	_ =	shalt  }
0x43: {  	_ =	shalt  }
0x44: {  	_ =	shalt  }
0x45: {  	_ =	shalt  }
0x46: {  	_ =	shalt  }
0x47: {  	_ =	shalt  }
0x48: {  	_ =	shalt  }
0x49: {  	_ =	shalt  }
0x4a: {  	_ =	shalt  }
0x4b: {  	_ =	shalt  }
0x4c: {  	_ =	shalt  }
0x4d: {  	_ =	shalt  }
0x4e: {  	_ =	shalt  }
0x4f: {  	_ =	shalt  }
0x50: {  	_ =	shalt  }
0x51: {  	_ =	shalt  }
0x52: {  	_ =	shalt  }
0x53: {  	_ =	shalt  }
0x54: {  	_ =	shalt  }
0x55: {  	_ =	shalt  }
0x56: {  	_ =	shalt  }
0x57: {  	_ =	shalt  }
0x58: {  	_ =	shalt  }
0x59: {  	_ =	shalt  }
0x5a: {  	_ =	shalt  }
0x5b: {  	_ =	shalt  }
0x5c: {  	_ =	shalt  }
0x5d: {  	_ =	shalt  }
0x5e: {  	_ =	shalt  }
0x5f: {  	_ =	shalt  }
0x60: {  	_ =	shalt  }
0x61: {  	_ =	shalt  }
0x62: {  	_ =	shalt  }
0x63: {  	_ =	shalt  }
0x64: {  	_ =	shalt  }
0x65: {  	_ =	shalt  }
0x66: {  	_ =	shalt  }
0x67: {  	_ =	shalt  }
0x68: {  	_ =	shalt  }
0x69: {  	_ =	shalt  }
0x6a: {  	_ =	shalt  }
0x6b: {  	_ =	shalt  }
0x6c: {  	_ =	shalt  }
0x6d: {  	_ =	shalt  }
0x6e: {  	_ =	shalt  }
0x6f: {  	_ =	shalt  }
0x70: {  	_ =	shalt  }
0x71: {  	_ =	shalt  }
0x72: {  	_ =	shalt  }
0x73: {  	_ =	shalt  }
0x74: {  	_ =	shalt  }
0x75: {  	_ =	shalt  }
0x76: {  	_ =	shalt  }
0x77: {  	_ =	shalt  }
0x78: {  	_ =	shalt  }
0x79: {  	_ =	shalt  }
0x7a: {  	_ =	shalt  }
0x7b: {  	_ =	shalt  }
0x7c: {  	_ =	shalt  }
0x7d: {  	_ =	shalt  }
0x7e: {  	_ =	shalt  }
0x7f: {  	_ =	shalt  }
0x80: {  	_ =	shalt  }
0x81: {  	_ =	shalt  }
0x82: {  	_ =	shalt  }
0x83: {  	_ =	shalt  }
0x84: {  	_ =	shalt  }
0x85: {  	_ =	shalt  }
0x86: {  	_ =	shalt  }
0x87: {  	_ =	shalt  }
.Lfunc_end0:
.L_simem_size_0:
called_computation_lowered:
.L_overlay_start_0:
0x88: {  	s2 =	sld [smem:$0x3FD9]  }
0x89: {  	s3 =	sld [smem:$0x3FFE];
	_ =	sdelay $0x1  }
0x8a: {  	s1 =	srdreg.scid  }
0x8b: {  	s0 =	sand.u32 $0x1, s1  }
0x8c: {  	s15 =	sshll.u32 s0, $0xA;
	s2 =	sadd.s32 s3, s2  }
0x8d: {  	s2 =	sadd.s32 s2, s15  }
0x8e: {  	[smem:$0x3FC6] =	sst s2  }
0x8f: {  	_ = 	snop  }
0x90: {  	s2 =	sld [smem:$0x3FD0];
	_ =	sdelay $0x1  }
0x91: {  	s16 =	sld [smem:$0x3FC9]  }
0x92: {  	s5 =	simm.s32 $0xA;
	s6 =	simm.s32 $0x10;
	s4 =	sld [smem:$0x3FC8]  }
0x93: {  	[smem:s6], [sflag:s5] =	dma.local [hbm:s2], $0x1  }
0x94: {  	_ =	swait.eq [sflag:s5], $0x1  }
0x95: {  	[sflag:s5] =	ssyncset.done $0x0  }
0x96: {  	s17 =	sld [smem:$0x10];
	[sflag:s5] =	ssyncadd.s32 $0xFFFFFFFF  }
0x97: {  	s18 =	sld [smem:$0x11];
	(tm) =	ssettm $0x1  }
0x98: {  	s19 =	sld [smem:$0x3FFB];
	_ =	sdelay $0x3  }
0x99: {  	_ =	strace s19  }
0x9a: {  	s6 =	sld [smem:$0x3FFC];
	_ =	sdelay $0x3  }
0x9b: {  	_ =	strace s6  }
0x9c: {  	s6 =	sld [smem:$0x3FFD];
	_ =	sdelay $0x3  }
0x9d: {  	_ =	strace s6  }
0x9e: {  	_ =	strace $0x8FFFFFFF  }
0x9f: {  	s20 =	sld [smem:$0x3FDB];
	_ =	sdelay $0x1  }
0xa0: {  	s7 =	simm.s32 $_scs_section_size  }
0xa1: {  	s8 =	simm.s32 $_size__tile_overlayer_lowered;
	s9 =	simm.s32 $_tile_overlayer_lowered  }
0xa2: {  	s23 =	simm.s32 $0x1BFF;
	s22 =	sshll.u32 s9, $0x1;
	s6 =	sadd.s32 s7, s20  }
0xa3: {  	s10 =	simm.s32 $0x0;
	s21 =	sshll.u32 s8, $0x1;
	s8 =	sadd.s32 s22, s6  }
0xa4: {  	[timem:s10], [sflag:s23] =	dma.local [hbm:s8], s21  }
0xa5: {  	_ =	swait.ge [sflag:s23], s21  }
0xa6: {  	s7 =	ssub.s32 $0x0, s21;
	[sflag:s23] =	ssyncset.done $0x0  }
0xa7: {  	[sflag:s23] =	ssyncadd.s32 s7;
	_ =	sdelay $0x1  }
0xa8: {  	s24 =	simm.s32 $0x1B8B  }
0xa9: {  	_ =	swait.ge [sflag:s24], $0x1  }
0xaa: {  	[sflag:s24] =	ssyncset.done $0x0  }
0xab: {  	s25 =	simm.s32 $0x1B8E;
	[sflag:s24] =	ssyncadd.s32 $0xFFFFFFFF  }
0xac: {  	s26 =	simm.s32 $execute0_lowered;
	[smem:$0x3FD2] =	sst s25  }
0xad: {  	s7 =	sshll.u32 s26, $0x1;
	_ =	strace $0x80000046;
	[dreg:$0x1] =	wrdreg $0xFFFFFFFF  }
0xae: {  	s28 =	simm.s32 $_size_execute0_lowered;
	s6 =	sadd.s32 s6, s7;
	[dreg:$0x0] =	wrdreg $0x0  }
0xaf: {  	s7 =	sshll.u32 s28, $0x1;
	[dreg:$0x2] =	wrdreg s6  }
0xb0: {  	[dreg:$0x3] =	wrdreg s7  }
0xb1: {  	[dreg:$0x4] =	wrdreg $0xC0  }
0xb2: {  	_ =	task [dreg:s10], $0x5FFFF  }
0xb3: {  	[dreg:$0x1] =	wrdreg $0xFFFFFFFF  }
0xb4: {  	[dreg:$0x0] =	wrdreg $0x60  }
0xb5: {  	[dreg:$0x2] =	wrdreg s16  }
0xb6: {  	[dreg:$0x3] =	wrdreg s4  }
0xb7: {  	[dreg:$0x4] =	wrdreg s17  }
0xb8: {  	[dreg:$0x5] =	wrdreg s18  }
0xb9: {  	[dreg:$0x6] =	wrdreg $0x9  }
0xba: {  	_ =	task.clear_ibuf [dreg:s10], $0x7FFFF;
	_ =	strace $0x90000046  }
0xbb: {  	s29 =	simm.s32 $0x9;
	_ =	strace $0x80000048  }
0xbc: {  	_ =	swait.ge [sflag:s29], $0x1  }
0xbd: {  	[sflag:s29] =	ssyncadd.s32 $0xFFFFFFFF  }
0xbe: {  	_ =	strace $0x90000048  }
0xbf: {  	_ =	sfence  }
0xc0: {  	s30 =	sld [smem:$0x0];
	_ =	sdelay $0x2  }
0xc1: {  	s31 =	sshll.u32 s1, $0xD;
	s1 =	sshrl.u32 s1, $0x2  }
0xc2: {  	s3 =	sand.u32 $0x4000, s31;
	s1 =	sadd.s32 s1, s30  }
0xc3: {  	s0 =	sor.u32 s3, s0;
	s1 =	sshll.u32 s1, $0x11  }
0xc4: {  	s0 =	sor.u32 s1, s0  }
0xc5: {  	s0 =	sadd.s32 $0x8F2B, s0  }
0xc6: {  	[sflag:s0] =	ssyncadd.remote.s32 $0x1  }
0xc7: {  	_ =	sfence.sel $0xFFFF  }
0xc8: {  	[dreg:$0x0] =	wrdreg $0xFFFFFFFF;
	(pc) =	sbr.abs _section_cstart, $3  }
0xc9: {  	[dreg:$0x1] =	wrdreg $0xFFFFFFFF  }
0xca: {  	_ =	task.clear_ibuf [dreg:s10], $0x2FFFF;
	_ =	strace $0x9FFFFFFF  }
0xcb: {  	(tm) =	ssettm $0x7FFFFFFF  }
tec
execute0_lowered:
.L_overlay_start_1:
0x0: {  	(tag) =	ssettag $0x1  }
0x1: {  	s0 =	srdreg.scid;
	s2 =	rddreg [dreg:$0x1]  }
0x2: {  	s1 =	stileid.u32;
	s3 =	rddreg [dreg:$0x2]  }
0x3: {  	s5 =	rddreg [dreg:$0x3];
	s0 =	sand.u32 $0x1, s0;
	s1 =	sshll.u32 s1, $0x1  }
0x4: {  	s23 =	rddreg [dreg:$0x0];
	s31 =	simm.s32 $0x5;
	s1 =	sor.u32 s0, s1  }
0x5: {  	s30 =	sadd.s32 $0x8, s23;
	s0 =	ssub.s32 $0x2, s0;
	s4 =	smul.u32 $0x19000, s1  }
0x6: {  	s23 =	simm.s32 $0x3300;
	s1 =	simm.s32 $0x0;
	s6 =	sshrl.u32 s0, $0x1  }
0x7: {  	[smem:$0x7FF] =	sst s1;
	s0 =	ssub.s32 s0, s6;
	s4 =	sshrl.u32 s4, $0x3  }
0x8: {  	s29 =	smax.u32 s0, $0x1;
	s0 =	simm.s32 $0x100;
	s26 =	sadd.s32 $0x640, s4  }
0x9: {  	s7 =	sadd.s32 s2, s4;
	s10 =	sadd.s32 $0xC80, s4;
	s8 =	sadd.s32 s3, s4  }
0xa: {  	s11 =	sadd.s32 s5, s4;
	s14 =	sadd.s32 $0x12C0, s4;
	s17 =	sadd.s32 $0x1900, s4  }
0xb: {  	s19 =	sadd.s32 $0x1F40, s4;
	s20 =	sadd.s32 $0x2580, s4;
	[dreg:$0x5] =	wrdreg s7  }
0xc: {  	s4 =	sadd.s32 $0x2BC0, s4;
	s9 =	sadd.s32 s2, s26;
	[dreg:$0x7] =	wrdreg s8  }
0xd: {  	[dreg:$0x8] =	wrdreg s11;
	s12 =	sadd.s32 s2, s10;
	s13 =	sadd.s32 s3, s26  }
0xe: {  	s6 =	sadd.s32 s5, s26;
	s15 =	sadd.s32 s2, s14;
	[dreg:$0x6] =	wrdreg s9  }
0xf: {  	s16 =	sadd.s32 s3, s10;
	s7 =	sadd.s32 s5, s10;
	[dreg:$0x9] =	wrdreg s12  }
0x10: {  	s18 =	sadd.s32 s2, s17;
	s21 =	sadd.s32 s2, s20;
	[dreg:$0xa] =	wrdreg s13  }
0x11: {  	s22 =	sadd.s32 s2, s4;
	s24 =	sadd.s32 s3, s20;
	[dreg:$0xb] =	wrdreg s6  }
0x12: {  	s25 =	sadd.s32 s5, s20;
	s26 =	sadd.s32 s3, s4;
	[dreg:$0xc] =	wrdreg s15  }
0x13: {  	s28 =	sadd.s32 s5, s4;
	s20 =	simm.s32 $0x80;
	[dreg:$0xd] =	wrdreg s16  }
0x14: {  	s4 =	simm.s32 $0xC900;
	s8 =	simm.s32 $0x3;
	[dreg:$0xe] =	wrdreg s7  }
0x15: {  	s10 =	simm.s32 $0x0;
	[dreg:$0xf] =	wrdreg s18;
	s9 =	sadd.s32 s3, s14  }
0x16: {  	s6 =	sadd.s32 s5, s14;
	s15 =	sadd.s32 s2, s19;
	s16 =	sadd.s32 s3, s17  }
0x17: {  	s17 =	sadd.s32 s5, s17;
	s18 =	sadd.s32 s3, s19;
	s19 =	sadd.s32 s5, s19  }
0x18: {  	s2 =	simm.s32 $0x1;
	s3 =	simm.s32 $0x6500;
	[dreg:$0x10] =	wrdreg s9  }
0x19: {  	s5 =	simm.s32 $0x2;
	s7 =	simm.s32 $0xFB00;
	[dreg:$0x11] =	wrdreg s6  }
0x1a: {  	s6 =	simm.s32 $0x9700;
	s9 =	simm.s32 $0x4;
	_ =	strace $0x80000047  }
.LBB2_1:
0x1b: {  	s11 =	rddreg [dreg:$0x0]  }
0x1c: {  	[tilespmem:s1], [sflag:$0x5] =	stream.linear.gather [hbm4b:s11+s1], $0x40, $0x38;
	[tilespmem:$0x12D00] =	vst v63  }
0x1d: {  	_ =	swait.ge [sflag:s31], $0x40  }
0x1e: {  	[sflag:s31] =	ssyncset.done $0x0  }
0x1f: {  	[sflag:s31] =	ssyncadd.s32 $0xFFFFFFC0  }
0x20: {  	[tilespmem:s20], [sflag:$0x5] =	stream.linear.gather [hbm4b:s30+s1], $0x40, $0x38;
	[tilespmem:$0x12D00] =	vst v63  }
0x21: {  	_ =	swait.ge [sflag:s31], $0x40  }
0x22: {  	[sflag:s31] =	ssyncset.done $0x0  }
0x23: {  	s12 =	rddreg [dreg:$0x5];
	[sflag:s31] =	ssyncadd.s32 $0xFFFFFFC0  }
0x24: {  	[tilespmem:s0], [sflag:$0x1] =	stream.linear.gather [hbm4b:s12+s1], $0x3200, $0x38;
	[tilespmem:$0x12D00] =	vst v63  }
0x25: {  	s13 =	rddreg [dreg:$0x6]  }
0x26: {  	[tilespmem:s23], [sflag:$0x2] =	stream.linear.gather [hbm4b:s13+s1], $0x3200, $0x38;
	[tilespmem:$0x12D00] =	vst v63  }
0x27: {  	_ =	swait.ge [sflag:s2], $0x3200  }
0x28: {  	[sflag:s2] =	ssyncset.done $0x0  }
0x29: {  	s14 =	simm.s32 $0x140;
	[sflag:s2] =	ssyncadd.s32 $0xFFFFCE00  }
0x2a: {  	v0 =	vld [tilespmem:s14+$0x30]  }
0x2b: {  	v1 =	vld [tilespmem:s14+$0xFFFFFFD0]  }
0x2c: {  	v2 =	vld [tilespmem:s14+$0xFFFFFFE0]  }
0x2d: {  	v3 =	vld [tilespmem:s14+$0xFFFFFFF0]  }
0x2e: {  	v4 =	vld [tilespmem:s14+$0x0]  }
0x2f: {  	v5 =	vld [tilespmem:s14+$0x10]  }
0x30: {  	v6 =	vld [tilespmem:s14+$0x20]  }
0x31: {  	v7 =	vld [tilespmem:s14+$0xFFFFFFC0]  }
0x32: {  	v8 =	vld.idx.msk [tilespmem:v0+s1+$0x0], $0xffff  }
0x33: {  	v9 =	vld.idx.msk [tilespmem:v1+s1+$0x0], $0xffff  }
0x34: {  	v10 =	vld.idx.msk [tilespmem:v2+s1+$0x0], $0xffff  }
0x35: {  	v11 =	vld.idx.msk [tilespmem:v3+s1+$0x0], $0xffff  }
0x36: {  	v12 =	vld.idx.msk [tilespmem:v4+s1+$0x0], $0xffff  }
0x37: {  	s11 =	simm.s32 $0x6540;
	v13 =	vld.idx.msk [tilespmem:v5+s1+$0x0], $0xffff  }
0x38: {  	v14 =	vld.idx.msk [tilespmem:v6+s1+$0x0], $0xffff;
	[tilespmem:s11+$0x30] =	vst v8  }
0x39: {  	v62 =	vld.idx.msk [tilespmem:v7+s1+$0x0], $0xffff;
	[tilespmem:s11+$0xFFFFFFD0] =	vst v9  }
0x3a: {  	[tilespmem:s11+$0xFFFFFFE0] =	vst v10;
	v8 =	vld.idx.msk [tilespmem:v0+s20+$0x0], $0xffff  }
0x3b: {  	[tilespmem:s11+$0xFFFFFFF0] =	vst v11;
	v63 =	vld.idx.msk [tilespmem:v1+s20+$0x0], $0xffff  }
0x3c: {  	[tilespmem:s11+$0x0] =	vst v12;
	v0 =	vld.idx.msk [tilespmem:v2+s20+$0x0], $0xffff  }
0x3d: {  	[tilespmem:s11+$0x10] =	vst v13;
	v1 =	vld.idx.msk [tilespmem:v3+s20+$0x0], $0xffff  }
0x3e: {  	[tilespmem:s11+$0x20] =	vst v14;
	v2 =	vld.idx.msk [tilespmem:v4+s20+$0x0], $0xffff  }
0x3f: {  	s12 =	simm.s32 $0xC940;
	[tilespmem:s11+$0xFFFFFFC0] =	vst v62;
	v3 =	vld.idx.msk [tilespmem:v5+s20+$0x0], $0xffff  }
0x40: {  	v4 =	vld.idx.msk [tilespmem:v6+s20+$0x0], $0xffff;
	[tilespmem:s12+$0x30] =	vst v8  }
0x41: {  	s13 =	simm.s32 $0x0;
	s14 =	simm.s32 $0x1C0;
	v5 =	vld.idx.msk [tilespmem:v7+s20+$0x0], $0xffff;
	[tilespmem:s12+$0xFFFFFFD0] =	vst v63  }
.LBB2_2:
0x42: {  	v6 =	vld [tilespmem:s14+$0x30];
	s13 =	sadd.s32 $0x80, s13;
	[tilespmem:s12+$0xFFFFFFE0] =	vst v0  }
0x43: {  	v0 =	vld [tilespmem:s14+$0xFFFFFFD0];
	p0 =	slt.u32 s13, $0x3180;
	[tilespmem:s12+$0xFFFFFFF0] =	vst v1  }
0x44: {  	v1 =	vld [tilespmem:s14+$0xFFFFFFE0];
	[tilespmem:s12+$0x0] =	vst v2  }
0x45: {  	v2 =	vld [tilespmem:s14+$0xFFFFFFF0];
	[tilespmem:s12+$0x10] =	vst v3  }
0x46: {  	v3 =	vld [tilespmem:s14+$0x0];
	[tilespmem:s12+$0x20] =	vst v4  }
0x47: {  	v4 =	vld [tilespmem:s14+$0x10];
	[tilespmem:s12+$0xFFFFFFC0] =	vst v5  }
0x48: {  	v5 =	vld [tilespmem:s14+$0x20]  }
0x49: {  	v7 =	vld [tilespmem:s14+$0xFFFFFFC0]  }
0x4a: {  	v8 =	vld.idx.msk [tilespmem:v6+s1+$0x0], $0xffff  }
0x4b: {  	v9 =	vld.idx.msk [tilespmem:v0+s1+$0x0], $0xffff  }
0x4c: {  	v10 =	vld.idx.msk [tilespmem:v1+s1+$0x0], $0xffff  }
0x4d: {  	v11 =	vld.idx.msk [tilespmem:v2+s1+$0x0], $0xffff  }
0x4e: {  	v12 =	vld.idx.msk [tilespmem:v3+s1+$0x0], $0xffff  }
0x4f: {  	s11 =	sadd.s32 $0x80, s11;
	v13 =	vld.idx.msk [tilespmem:v4+s1+$0x0], $0xffff  }
0x50: {  	v14 =	vld.idx.msk [tilespmem:v5+s1+$0x0], $0xffff;
	[tilespmem:s11+$0x30] =	vst v8  }
0x51: {  	[tilespmem:s11+$0xFFFFFFD0] =	vst v9;
	v6 =	vld.idx.msk [tilespmem:v6+s20+$0x0], $0xffff  }
0x52: {  	v8 =	vld.idx.msk [tilespmem:v7+s1+$0x0], $0xffff;
	[tilespmem:s11+$0xFFFFFFE0] =	vst v10  }
0x53: {  	v9 =	vld.idx.msk [tilespmem:v0+s20+$0x0], $0xffff;
	[tilespmem:s11+$0xFFFFFFF0] =	vst v11  }
0x54: {  	v0 =	vld.idx.msk [tilespmem:v1+s20+$0x0], $0xffff;
	[tilespmem:s11+$0x0] =	vst v12  }
.Ltmp0:
0x55: {  	v1 =	vld.idx.msk [tilespmem:v2+s20+$0x0], $0xffff;
	[tilespmem:s11+$0x10] =	vst v13;
	(pc) =	sbr.rel @p0 .LBB2_2-.Ltmp0, $4  }
0x56: {  	s12 =	sadd.s32 $0x80, s12;
	v2 =	vld.idx.msk [tilespmem:v3+s20+$0x0], $0xffff;
	[tilespmem:s11+$0x20] =	vst v14  }
0x57: {  	v3 =	vld.idx.msk [tilespmem:v4+s20+$0x0], $0xffff;
	[tilespmem:s12+$0x30] =	vst v6  }
0x58: {  	[tilespmem:s11+$0xFFFFFFC0] =	vst v8;
	v4 =	vld.idx.msk [tilespmem:v5+s20+$0x0], $0xffff  }
0x59: {  	s14 =	sadd.s32 $0x80, s14;
	v5 =	vld.idx.msk [tilespmem:v7+s20+$0x0], $0xffff;
	[tilespmem:s12+$0xFFFFFFD0] =	vst v9  }
0x5a: {  	[tilespmem:s12+$0xFFFFFFE0] =	vst v0  }
0x5b: {  	[tilespmem:s12+$0xFFFFFFF0] =	vst v1  }
0x5c: {  	[tilespmem:s12+$0x0] =	vst v2  }
0x5d: {  	[tilespmem:s12+$0x10] =	vst v3  }
0x5e: {  	[tilespmem:s12+$0x20] =	vst v4  }
0x5f: {  	[tilespmem:s12+$0xFFFFFFC0] =	vst v5  }
0x60: {  	s11 =	rddreg [dreg:$0x7]  }
0x61: {  	[hbm4b:s11+s1] =	stream.linear.scatter [tilespmem:s3], [sflag:$0x3], $0x3200, $0x38;
	[tilespmem:$0x12D00] =	vst v63  }
0x62: {  	s12 =	rddreg [dreg:$0x8]  }
0x63: {  	[hbm4b:s12+s1] =	stream.linear.scatter [tilespmem:s4], [sflag:$0x3], $0x3200, $0x38;
	[tilespmem:$0x12D00] =	vst v63  }
0x64: {  	s13 =	rddreg [dreg:$0x9]  }
0x65: {  	[tilespmem:s0], [sflag:$0x1] =	stream.linear.gather [hbm4b:s13+s1], $0x3200, $0x38;
	[tilespmem:$0x12D00] =	vst v63  }
0x66: {  	_ =	swait.ge [sflag:s5], $0x3200  }
0x67: {  	[sflag:s5] =	ssyncset.done $0x0  }
0x68: {  	s14 =	simm.s32 $0x3340;
	[sflag:s5] =	ssyncadd.s32 $0xFFFFCE00  }
0x69: {  	v0 =	vld [tilespmem:s14+$0x30]  }
0x6a: {  	v1 =	vld [tilespmem:s14+$0xFFFFFFD0]  }
0x6b: {  	v2 =	vld [tilespmem:s14+$0xFFFFFFE0]  }
0x6c: {  	v3 =	vld [tilespmem:s14+$0xFFFFFFF0]  }
0x6d: {  	v4 =	vld [tilespmem:s14+$0x0]  }
0x6e: {  	v5 =	vld [tilespmem:s14+$0x10]  }
0x6f: {  	v6 =	vld [tilespmem:s14+$0x20]  }
0x70: {  	v7 =	vld [tilespmem:s14+$0xFFFFFFC0]  }
0x71: {  	v8 =	vld.idx.msk [tilespmem:v0+s1+$0x0], $0xffff  }
0x72: {  	v9 =	vld.idx.msk [tilespmem:v1+s1+$0x0], $0xffff  }
0x73: {  	v10 =	vld.idx.msk [tilespmem:v2+s1+$0x0], $0xffff  }
0x74: {  	v11 =	vld.idx.msk [tilespmem:v3+s1+$0x0], $0xffff  }
0x75: {  	v12 =	vld.idx.msk [tilespmem:v4+s1+$0x0], $0xffff  }
0x76: {  	s11 =	simm.s32 $0x9740;
	v13 =	vld.idx.msk [tilespmem:v5+s1+$0x0], $0xffff  }
0x77: {  	v14 =	vld.idx.msk [tilespmem:v6+s1+$0x0], $0xffff;
	[tilespmem:s11+$0x30] =	vst v8  }
0x78: {  	v62 =	vld.idx.msk [tilespmem:v7+s1+$0x0], $0xffff;
	[tilespmem:s11+$0xFFFFFFD0] =	vst v9  }
0x79: {  	[tilespmem:s11+$0xFFFFFFE0] =	vst v10;
	v8 =	vld.idx.msk [tilespmem:v0+s20+$0x0], $0xffff  }
0x7a: {  	[tilespmem:s11+$0xFFFFFFF0] =	vst v11;
	v63 =	vld.idx.msk [tilespmem:v1+s20+$0x0], $0xffff  }
0x7b: {  	[tilespmem:s11+$0x0] =	vst v12;
	v0 =	vld.idx.msk [tilespmem:v2+s20+$0x0], $0xffff  }
0x7c: {  	[tilespmem:s11+$0x10] =	vst v13;
	v1 =	vld.idx.msk [tilespmem:v3+s20+$0x0], $0xffff  }
0x7d: {  	[tilespmem:s11+$0x20] =	vst v14;
	v2 =	vld.idx.msk [tilespmem:v4+s20+$0x0], $0xffff  }
0x7e: {  	s12 =	simm.s32 $0xFB40;
	[tilespmem:s11+$0xFFFFFFC0] =	vst v62;
	v3 =	vld.idx.msk [tilespmem:v5+s20+$0x0], $0xffff  }
0x7f: {  	v4 =	vld.idx.msk [tilespmem:v6+s20+$0x0], $0xffff;
	[tilespmem:s12+$0x30] =	vst v8  }
0x80: {  	s13 =	simm.s32 $0x0;
	s14 =	simm.s32 $0x33C0;
	v5 =	vld.idx.msk [tilespmem:v7+s20+$0x0], $0xffff;
	[tilespmem:s12+$0xFFFFFFD0] =	vst v63  }
.LBB2_4:
0x81: {  	v6 =	vld [tilespmem:s14+$0x30];
	s13 =	sadd.s32 $0x80, s13;
	[tilespmem:s12+$0xFFFFFFE0] =	vst v0  }
0x82: {  	v0 =	vld [tilespmem:s14+$0xFFFFFFD0];
	p0 =	slt.u32 s13, $0x3180;
	[tilespmem:s12+$0xFFFFFFF0] =	vst v1  }
0x83: {  	v1 =	vld [tilespmem:s14+$0xFFFFFFE0];
	[tilespmem:s12+$0x0] =	vst v2  }
0x84: {  	v2 =	vld [tilespmem:s14+$0xFFFFFFF0];
	[tilespmem:s12+$0x10] =	vst v3  }
0x85: {  	v3 =	vld [tilespmem:s14+$0x0];
	[tilespmem:s12+$0x20] =	vst v4  }
0x86: {  	v4 =	vld [tilespmem:s14+$0x10];
	[tilespmem:s12+$0xFFFFFFC0] =	vst v5  }
0x87: {  	v5 =	vld [tilespmem:s14+$0x20]  }
0x88: {  	v7 =	vld [tilespmem:s14+$0xFFFFFFC0]  }
0x89: {  	v8 =	vld.idx.msk [tilespmem:v6+s1+$0x0], $0xffff  }
0x8a: {  	v9 =	vld.idx.msk [tilespmem:v0+s1+$0x0], $0xffff  }
0x8b: {  	v10 =	vld.idx.msk [tilespmem:v1+s1+$0x0], $0xffff  }
0x8c: {  	v11 =	vld.idx.msk [tilespmem:v2+s1+$0x0], $0xffff  }
0x8d: {  	v12 =	vld.idx.msk [tilespmem:v3+s1+$0x0], $0xffff  }
0x8e: {  	s11 =	sadd.s32 $0x80, s11;
	v13 =	vld.idx.msk [tilespmem:v4+s1+$0x0], $0xffff  }
0x8f: {  	v14 =	vld.idx.msk [tilespmem:v5+s1+$0x0], $0xffff;
	[tilespmem:s11+$0x30] =	vst v8  }
0x90: {  	[tilespmem:s11+$0xFFFFFFD0] =	vst v9;
	v6 =	vld.idx.msk [tilespmem:v6+s20+$0x0], $0xffff  }
0x91: {  	v8 =	vld.idx.msk [tilespmem:v7+s1+$0x0], $0xffff;
	[tilespmem:s11+$0xFFFFFFE0] =	vst v10  }
0x92: {  	v9 =	vld.idx.msk [tilespmem:v0+s20+$0x0], $0xffff;
	[tilespmem:s11+$0xFFFFFFF0] =	vst v11  }
0x93: {  	v0 =	vld.idx.msk [tilespmem:v1+s20+$0x0], $0xffff;
	[tilespmem:s11+$0x0] =	vst v12  }
.Ltmp1:
0x94: {  	v1 =	vld.idx.msk [tilespmem:v2+s20+$0x0], $0xffff;
	[tilespmem:s11+$0x10] =	vst v13;
	(pc) =	sbr.rel @p0 .LBB2_4-.Ltmp1, $4  }
0x95: {  	s12 =	sadd.s32 $0x80, s12;
	v2 =	vld.idx.msk [tilespmem:v3+s20+$0x0], $0xffff;
	[tilespmem:s11+$0x20] =	vst v14  }
0x96: {  	v3 =	vld.idx.msk [tilespmem:v4+s20+$0x0], $0xffff;
	[tilespmem:s12+$0x30] =	vst v6  }
0x97: {  	[tilespmem:s11+$0xFFFFFFC0] =	vst v8;
	v4 =	vld.idx.msk [tilespmem:v5+s20+$0x0], $0xffff  }
0x98: {  	s14 =	sadd.s32 $0x80, s14;
	v5 =	vld.idx.msk [tilespmem:v7+s20+$0x0], $0xffff;
	[tilespmem:s12+$0xFFFFFFD0] =	vst v9  }
0x99: {  	[tilespmem:s12+$0xFFFFFFE0] =	vst v0  }
0x9a: {  	[tilespmem:s12+$0xFFFFFFF0] =	vst v1  }
0x9b: {  	[tilespmem:s12+$0x0] =	vst v2  }
0x9c: {  	[tilespmem:s12+$0x10] =	vst v3  }
0x9d: {  	[tilespmem:s12+$0x20] =	vst v4  }
0x9e: {  	[tilespmem:s12+$0xFFFFFFC0] =	vst v5  }
0x9f: {  	s11 =	rddreg [dreg:$0xa]  }
0xa0: {  	[hbm4b:s11+s1] =	stream.linear.scatter [tilespmem:s6], [sflag:$0x4], $0x3200, $0x38;
	[tilespmem:$0x12D00] =	vst v63  }
0xa1: {  	s12 =	rddreg [dreg:$0xb]  }
0xa2: {  	[hbm4b:s12+s1] =	stream.linear.scatter [tilespmem:s7], [sflag:$0x4], $0x3200, $0x38;
	[tilespmem:$0x12D00] =	vst v63  }
0xa3: {  	s13 =	rddreg [dreg:$0xc]  }
0xa4: {  	[tilespmem:s23], [sflag:$0x2] =	stream.linear.gather [hbm4b:s13+s1], $0x3200, $0x38;
	[tilespmem:$0x12D00] =	vst v63  }
0xa5: {  	_ =	swait.ge [sflag:s2], $0x3200  }
0xa6: {  	[sflag:s2] =	ssyncset.done $0x0  }
0xa7: {  	[sflag:s2] =	ssyncadd.s32 $0xFFFFCE00  }
0xa8: {  	_ =	swait.ge [sflag:s8], $0x3200  }
0xa9: {  	[sflag:s8] =	ssyncset.done $0x0  }
0xaa: {  	[sflag:s8] =	ssyncadd.s32 $0xFFFFCE00  }
0xab: {  	_ =	swait.ge [sflag:s8], $0x3200  }
0xac: {  	[sflag:s8] =	ssyncset.done $0x0  }
0xad: {  	s14 =	simm.s32 $0x140;
	[sflag:s8] =	ssyncadd.s32 $0xFFFFCE00  }
0xae: {  	v0 =	vld [tilespmem:s14+$0x30]  }
0xaf: {  	v1 =	vld [tilespmem:s14+$0xFFFFFFD0]  }
0xb0: {  	v2 =	vld [tilespmem:s14+$0xFFFFFFE0]  }
0xb1: {  	v3 =	vld [tilespmem:s14+$0xFFFFFFF0]  }
0xb2: {  	v4 =	vld [tilespmem:s14+$0x0]  }
0xb3: {  	v5 =	vld [tilespmem:s14+$0x10]  }
0xb4: {  	v6 =	vld [tilespmem:s14+$0x20]  }
0xb5: {  	v7 =	vld [tilespmem:s14+$0xFFFFFFC0]  }
0xb6: {  	v8 =	vld.idx.msk [tilespmem:v0+s1+$0x0], $0xffff  }
0xb7: {  	v9 =	vld.idx.msk [tilespmem:v1+s1+$0x0], $0xffff  }
0xb8: {  	v10 =	vld.idx.msk [tilespmem:v2+s1+$0x0], $0xffff  }
0xb9: {  	v11 =	vld.idx.msk [tilespmem:v3+s1+$0x0], $0xffff  }
0xba: {  	v12 =	vld.idx.msk [tilespmem:v4+s1+$0x0], $0xffff  }
0xbb: {  	s11 =	simm.s32 $0x6540;
	v13 =	vld.idx.msk [tilespmem:v5+s1+$0x0], $0xffff  }
0xbc: {  	v14 =	vld.idx.msk [tilespmem:v6+s1+$0x0], $0xffff;
	[tilespmem:s11+$0x30] =	vst v8  }
0xbd: {  	v62 =	vld.idx.msk [tilespmem:v7+s1+$0x0], $0xffff;
	[tilespmem:s11+$0xFFFFFFD0] =	vst v9  }
0xbe: {  	[tilespmem:s11+$0xFFFFFFE0] =	vst v10;
	v8 =	vld.idx.msk [tilespmem:v0+s20+$0x0], $0xffff  }
0xbf: {  	[tilespmem:s11+$0xFFFFFFF0] =	vst v11;
	v63 =	vld.idx.msk [tilespmem:v1+s20+$0x0], $0xffff  }
0xc0: {  	[tilespmem:s11+$0x0] =	vst v12;
	v0 =	vld.idx.msk [tilespmem:v2+s20+$0x0], $0xffff  }
0xc1: {  	[tilespmem:s11+$0x10] =	vst v13;
	v1 =	vld.idx.msk [tilespmem:v3+s20+$0x0], $0xffff  }
0xc2: {  	[tilespmem:s11+$0x20] =	vst v14;
	v2 =	vld.idx.msk [tilespmem:v4+s20+$0x0], $0xffff  }
0xc3: {  	s12 =	simm.s32 $0xC940;
	[tilespmem:s11+$0xFFFFFFC0] =	vst v62;
	v3 =	vld.idx.msk [tilespmem:v5+s20+$0x0], $0xffff  }
0xc4: {  	v4 =	vld.idx.msk [tilespmem:v6+s20+$0x0], $0xffff;
	[tilespmem:s12+$0x30] =	vst v8  }
0xc5: {  	s13 =	simm.s32 $0x0;
	s14 =	simm.s32 $0x1C0;
	v5 =	vld.idx.msk [tilespmem:v7+s20+$0x0], $0xffff;
	[tilespmem:s12+$0xFFFFFFD0] =	vst v63  }
.LBB2_6:
0xc6: {  	v6 =	vld [tilespmem:s14+$0x30];
	s13 =	sadd.s32 $0x80, s13;
	[tilespmem:s12+$0xFFFFFFE0] =	vst v0  }
0xc7: {  	v0 =	vld [tilespmem:s14+$0xFFFFFFD0];
	p0 =	slt.u32 s13, $0x3180;
	[tilespmem:s12+$0xFFFFFFF0] =	vst v1  }
0xc8: {  	v1 =	vld [tilespmem:s14+$0xFFFFFFE0];
	[tilespmem:s12+$0x0] =	vst v2  }
0xc9: {  	v2 =	vld [tilespmem:s14+$0xFFFFFFF0];
	[tilespmem:s12+$0x10] =	vst v3  }
0xca: {  	v3 =	vld [tilespmem:s14+$0x0];
	[tilespmem:s12+$0x20] =	vst v4  }
0xcb: {  	v4 =	vld [tilespmem:s14+$0x10];
	[tilespmem:s12+$0xFFFFFFC0] =	vst v5  }
0xcc: {  	v5 =	vld [tilespmem:s14+$0x20]  }
0xcd: {  	v7 =	vld [tilespmem:s14+$0xFFFFFFC0]  }
0xce: {  	v8 =	vld.idx.msk [tilespmem:v6+s1+$0x0], $0xffff  }
0xcf: {  	v9 =	vld.idx.msk [tilespmem:v0+s1+$0x0], $0xffff  }
0xd0: {  	v10 =	vld.idx.msk [tilespmem:v1+s1+$0x0], $0xffff  }
0xd1: {  	v11 =	vld.idx.msk [tilespmem:v2+s1+$0x0], $0xffff  }
0xd2: {  	v12 =	vld.idx.msk [tilespmem:v3+s1+$0x0], $0xffff  }
0xd3: {  	s11 =	sadd.s32 $0x80, s11;
	v13 =	vld.idx.msk [tilespmem:v4+s1+$0x0], $0xffff  }
0xd4: {  	v14 =	vld.idx.msk [tilespmem:v5+s1+$0x0], $0xffff;
	[tilespmem:s11+$0x30] =	vst v8  }
0xd5: {  	[tilespmem:s11+$0xFFFFFFD0] =	vst v9;
	v6 =	vld.idx.msk [tilespmem:v6+s20+$0x0], $0xffff  }
0xd6: {  	v8 =	vld.idx.msk [tilespmem:v7+s1+$0x0], $0xffff;
	[tilespmem:s11+$0xFFFFFFE0] =	vst v10  }
0xd7: {  	v9 =	vld.idx.msk [tilespmem:v0+s20+$0x0], $0xffff;
	[tilespmem:s11+$0xFFFFFFF0] =	vst v11  }
0xd8: {  	v0 =	vld.idx.msk [tilespmem:v1+s20+$0x0], $0xffff;
	[tilespmem:s11+$0x0] =	vst v12  }
.Ltmp2:
0xd9: {  	v1 =	vld.idx.msk [tilespmem:v2+s20+$0x0], $0xffff;
	[tilespmem:s11+$0x10] =	vst v13;
	(pc) =	sbr.rel @p0 .LBB2_6-.Ltmp2, $4  }
0xda: {  	s12 =	sadd.s32 $0x80, s12;
	v2 =	vld.idx.msk [tilespmem:v3+s20+$0x0], $0xffff;
	[tilespmem:s11+$0x20] =	vst v14  }
0xdb: {  	v3 =	vld.idx.msk [tilespmem:v4+s20+$0x0], $0xffff;
	[tilespmem:s12+$0x30] =	vst v6  }
0xdc: {  	[tilespmem:s11+$0xFFFFFFC0] =	vst v8;
	v4 =	vld.idx.msk [tilespmem:v5+s20+$0x0], $0xffff  }
0xdd: {  	s14 =	sadd.s32 $0x80, s14;
	v5 =	vld.idx.msk [tilespmem:v7+s20+$0x0], $0xffff;
	[tilespmem:s12+$0xFFFFFFD0] =	vst v9  }
0xde: {  	[tilespmem:s12+$0xFFFFFFE0] =	vst v0  }
0xdf: {  	[tilespmem:s12+$0xFFFFFFF0] =	vst v1  }
0xe0: {  	[tilespmem:s12+$0x0] =	vst v2  }
0xe1: {  	[tilespmem:s12+$0x10] =	vst v3  }
0xe2: {  	[tilespmem:s12+$0x20] =	vst v4  }
0xe3: {  	[tilespmem:s12+$0xFFFFFFC0] =	vst v5  }
0xe4: {  	s11 =	rddreg [dreg:$0xd]  }
0xe5: {  	[hbm4b:s11+s1] =	stream.linear.scatter [tilespmem:s3], [sflag:$0x3], $0x3200, $0x38;
	[tilespmem:$0x12D00] =	vst v63  }
0xe6: {  	s12 =	rddreg [dreg:$0xe]  }
0xe7: {  	[hbm4b:s12+s1] =	stream.linear.scatter [tilespmem:s4], [sflag:$0x3], $0x3200, $0x38;
	[tilespmem:$0x12D00] =	vst v63  }
0xe8: {  	s13 =	rddreg [dreg:$0xf]  }
0xe9: {  	[tilespmem:s0], [sflag:$0x1] =	stream.linear.gather [hbm4b:s13+s1], $0x3200, $0x38;
	[tilespmem:$0x12D00] =	vst v63  }
0xea: {  	_ =	swait.ge [sflag:s5], $0x3200  }
0xeb: {  	[sflag:s5] =	ssyncset.done $0x0  }
0xec: {  	[sflag:s5] =	ssyncadd.s32 $0xFFFFCE00  }
0xed: {  	_ =	swait.ge [sflag:s9], $0x3200  }
0xee: {  	[sflag:s9] =	ssyncset.done $0x0  }
0xef: {  	[sflag:s9] =	ssyncadd.s32 $0xFFFFCE00  }
0xf0: {  	_ =	swait.ge [sflag:s9], $0x3200  }
0xf1: {  	[sflag:s9] =	ssyncset.done $0x0  }
0xf2: {  	s14 =	simm.s32 $0x3340;
	[sflag:s9] =	ssyncadd.s32 $0xFFFFCE00  }
0xf3: {  	v0 =	vld [tilespmem:s14+$0x30]  }
0xf4: {  	v1 =	vld [tilespmem:s14+$0xFFFFFFD0]  }
0xf5: {  	v2 =	vld [tilespmem:s14+$0xFFFFFFE0]  }
0xf6: {  	v3 =	vld [tilespmem:s14+$0xFFFFFFF0]  }
0xf7: {  	v4 =	vld [tilespmem:s14+$0x0]  }
0xf8: {  	v5 =	vld [tilespmem:s14+$0x10]  }
0xf9: {  	v6 =	vld [tilespmem:s14+$0x20]  }
0xfa: {  	v7 =	vld [tilespmem:s14+$0xFFFFFFC0]  }
0xfb: {  	v8 =	vld.idx.msk [tilespmem:v0+s1+$0x0], $0xffff  }
0xfc: {  	v9 =	vld.idx.msk [tilespmem:v1+s1+$0x0], $0xffff  }
0xfd: {  	v10 =	vld.idx.msk [tilespmem:v2+s1+$0x0], $0xffff  }
0xfe: {  	v11 =	vld.idx.msk [tilespmem:v3+s1+$0x0], $0xffff  }
0xff: {  	v12 =	vld.idx.msk [tilespmem:v4+s1+$0x0], $0xffff  }
0x100: {  	s11 =	simm.s32 $0x9740;
	v13 =	vld.idx.msk [tilespmem:v5+s1+$0x0], $0xffff  }
0x101: {  	v14 =	vld.idx.msk [tilespmem:v6+s1+$0x0], $0xffff;
	[tilespmem:s11+$0x30] =	vst v8  }
0x102: {  	v62 =	vld.idx.msk [tilespmem:v7+s1+$0x0], $0xffff;
	[tilespmem:s11+$0xFFFFFFD0] =	vst v9  }
0x103: {  	[tilespmem:s11+$0xFFFFFFE0] =	vst v10;
	v8 =	vld.idx.msk [tilespmem:v0+s20+$0x0], $0xffff  }
0x104: {  	[tilespmem:s11+$0xFFFFFFF0] =	vst v11;
	v63 =	vld.idx.msk [tilespmem:v1+s20+$0x0], $0xffff  }
0x105: {  	[tilespmem:s11+$0x0] =	vst v12;
	v0 =	vld.idx.msk [tilespmem:v2+s20+$0x0], $0xffff  }
0x106: {  	[tilespmem:s11+$0x10] =	vst v13;
	v1 =	vld.idx.msk [tilespmem:v3+s20+$0x0], $0xffff  }
0x107: {  	[tilespmem:s11+$0x20] =	vst v14;
	v2 =	vld.idx.msk [tilespmem:v4+s20+$0x0], $0xffff  }
0x108: {  	s12 =	simm.s32 $0xFB40;
	[tilespmem:s11+$0xFFFFFFC0] =	vst v62;
	v3 =	vld.idx.msk [tilespmem:v5+s20+$0x0], $0xffff  }
0x109: {  	v4 =	vld.idx.msk [tilespmem:v6+s20+$0x0], $0xffff;
	[tilespmem:s12+$0x30] =	vst v8  }
0x10a: {  	s13 =	simm.s32 $0x0;
	s14 =	simm.s32 $0x33C0;
	v5 =	vld.idx.msk [tilespmem:v7+s20+$0x0], $0xffff;
	[tilespmem:s12+$0xFFFFFFD0] =	vst v63  }
.LBB2_8:
0x10b: {  	v6 =	vld [tilespmem:s14+$0x30];
	s13 =	sadd.s32 $0x80, s13;
	[tilespmem:s12+$0xFFFFFFE0] =	vst v0  }
0x10c: {  	v0 =	vld [tilespmem:s14+$0xFFFFFFD0];
	p0 =	slt.u32 s13, $0x3180;
	[tilespmem:s12+$0xFFFFFFF0] =	vst v1  }
0x10d: {  	v1 =	vld [tilespmem:s14+$0xFFFFFFE0];
	[tilespmem:s12+$0x0] =	vst v2  }
0x10e: {  	v2 =	vld [tilespmem:s14+$0xFFFFFFF0];
	[tilespmem:s12+$0x10] =	vst v3  }
0x10f: {  	v3 =	vld [tilespmem:s14+$0x0];
	[tilespmem:s12+$0x20] =	vst v4  }
0x110: {  	v4 =	vld [tilespmem:s14+$0x10];
	[tilespmem:s12+$0xFFFFFFC0] =	vst v5  }
0x111: {  	v5 =	vld [tilespmem:s14+$0x20]  }
0x112: {  	v7 =	vld [tilespmem:s14+$0xFFFFFFC0]  }
0x113: {  	v8 =	vld.idx.msk [tilespmem:v6+s1+$0x0], $0xffff  }
0x114: {  	v9 =	vld.idx.msk [tilespmem:v0+s1+$0x0], $0xffff  }
0x115: {  	v10 =	vld.idx.msk [tilespmem:v1+s1+$0x0], $0xffff  }
0x116: {  	v11 =	vld.idx.msk [tilespmem:v2+s1+$0x0], $0xffff  }
0x117: {  	v12 =	vld.idx.msk [tilespmem:v3+s1+$0x0], $0xffff  }
0x118: {  	s11 =	sadd.s32 $0x80, s11;
	v13 =	vld.idx.msk [tilespmem:v4+s1+$0x0], $0xffff  }
0x119: {  	v14 =	vld.idx.msk [tilespmem:v5+s1+$0x0], $0xffff;
	[tilespmem:s11+$0x30] =	vst v8  }
0x11a: {  	[tilespmem:s11+$0xFFFFFFD0] =	vst v9;
	v6 =	vld.idx.msk [tilespmem:v6+s20+$0x0], $0xffff  }
0x11b: {  	v8 =	vld.idx.msk [tilespmem:v7+s1+$0x0], $0xffff;
	[tilespmem:s11+$0xFFFFFFE0] =	vst v10  }
0x11c: {  	v9 =	vld.idx.msk [tilespmem:v0+s20+$0x0], $0xffff;
	[tilespmem:s11+$0xFFFFFFF0] =	vst v11  }
0x11d: {  	v0 =	vld.idx.msk [tilespmem:v1+s20+$0x0], $0xffff;
	[tilespmem:s11+$0x0] =	vst v12  }
.Ltmp3:
0x11e: {  	v1 =	vld.idx.msk [tilespmem:v2+s20+$0x0], $0xffff;
	[tilespmem:s11+$0x10] =	vst v13;
	(pc) =	sbr.rel @p0 .LBB2_8-.Ltmp3, $4  }
0x11f: {  	s12 =	sadd.s32 $0x80, s12;
	v2 =	vld.idx.msk [tilespmem:v3+s20+$0x0], $0xffff;
	[tilespmem:s11+$0x20] =	vst v14  }
0x120: {  	v3 =	vld.idx.msk [tilespmem:v4+s20+$0x0], $0xffff;
	[tilespmem:s12+$0x30] =	vst v6  }
0x121: {  	[tilespmem:s11+$0xFFFFFFC0] =	vst v8;
	v4 =	vld.idx.msk [tilespmem:v5+s20+$0x0], $0xffff  }
0x122: {  	s14 =	sadd.s32 $0x80, s14;
	v5 =	vld.idx.msk [tilespmem:v7+s20+$0x0], $0xffff;
	[tilespmem:s12+$0xFFFFFFD0] =	vst v9  }
0x123: {  	[tilespmem:s12+$0xFFFFFFE0] =	vst v0  }
0x124: {  	[tilespmem:s12+$0xFFFFFFF0] =	vst v1  }
0x125: {  	[tilespmem:s12+$0x0] =	vst v2  }
0x126: {  	[tilespmem:s12+$0x10] =	vst v3  }
0x127: {  	[tilespmem:s12+$0x20] =	vst v4  }
0x128: {  	[tilespmem:s12+$0xFFFFFFC0] =	vst v5  }
0x129: {  	s11 =	rddreg [dreg:$0x10]  }
0x12a: {  	[hbm4b:s11+s1] =	stream.linear.scatter [tilespmem:s6], [sflag:$0x4], $0x3200, $0x38;
	[tilespmem:$0x12D00] =	vst v63  }
0x12b: {  	s13 =	rddreg [dreg:$0x11]  }
0x12c: {  	[hbm4b:s13+s1] =	stream.linear.scatter [tilespmem:s7], [sflag:$0x4], $0x3200, $0x38;
	[tilespmem:$0x12D00] =	vst v63  }
0x12d: {  	_ = 	snop  }
0x12e: {  	[tilespmem:s23], [sflag:$0x2] =	stream.linear.gather [hbm4b:s15+s1], $0x3200, $0x38;
	[tilespmem:$0x12D00] =	vst v63  }
0x12f: {  	_ =	swait.ge [sflag:s2], $0x3200  }
0x130: {  	[sflag:s2] =	ssyncset.done $0x0  }
0x131: {  	[sflag:s2] =	ssyncadd.s32 $0xFFFFCE00  }
0x132: {  	_ =	swait.ge [sflag:s8], $0x3200  }
0x133: {  	[sflag:s8] =	ssyncset.done $0x0  }
0x134: {  	[sflag:s8] =	ssyncadd.s32 $0xFFFFCE00  }
0x135: {  	_ =	swait.ge [sflag:s8], $0x3200  }
0x136: {  	[sflag:s8] =	ssyncset.done $0x0  }
0x137: {  	s14 =	simm.s32 $0x140;
	[sflag:s8] =	ssyncadd.s32 $0xFFFFCE00  }
0x138: {  	v0 =	vld [tilespmem:s14+$0x30]  }
0x139: {  	v1 =	vld [tilespmem:s14+$0xFFFFFFD0]  }
0x13a: {  	v2 =	vld [tilespmem:s14+$0xFFFFFFE0]  }
0x13b: {  	v3 =	vld [tilespmem:s14+$0xFFFFFFF0]  }
0x13c: {  	v4 =	vld [tilespmem:s14+$0x0]  }
0x13d: {  	v5 =	vld [tilespmem:s14+$0x10]  }
0x13e: {  	v6 =	vld [tilespmem:s14+$0x20]  }
0x13f: {  	v7 =	vld [tilespmem:s14+$0xFFFFFFC0]  }
0x140: {  	v8 =	vld.idx.msk [tilespmem:v0+s1+$0x0], $0xffff  }
0x141: {  	v9 =	vld.idx.msk [tilespmem:v1+s1+$0x0], $0xffff  }
0x142: {  	v10 =	vld.idx.msk [tilespmem:v2+s1+$0x0], $0xffff  }
0x143: {  	v11 =	vld.idx.msk [tilespmem:v3+s1+$0x0], $0xffff  }
0x144: {  	v12 =	vld.idx.msk [tilespmem:v4+s1+$0x0], $0xffff  }
0x145: {  	s11 =	simm.s32 $0x6540;
	v13 =	vld.idx.msk [tilespmem:v5+s1+$0x0], $0xffff  }
0x146: {  	v14 =	vld.idx.msk [tilespmem:v6+s1+$0x0], $0xffff;
	[tilespmem:s11+$0x30] =	vst v8  }
0x147: {  	v62 =	vld.idx.msk [tilespmem:v7+s1+$0x0], $0xffff;
	[tilespmem:s11+$0xFFFFFFD0] =	vst v9  }
0x148: {  	[tilespmem:s11+$0xFFFFFFE0] =	vst v10;
	v8 =	vld.idx.msk [tilespmem:v0+s20+$0x0], $0xffff  }
0x149: {  	[tilespmem:s11+$0xFFFFFFF0] =	vst v11;
	v63 =	vld.idx.msk [tilespmem:v1+s20+$0x0], $0xffff  }
0x14a: {  	[tilespmem:s11+$0x0] =	vst v12;
	v0 =	vld.idx.msk [tilespmem:v2+s20+$0x0], $0xffff  }
0x14b: {  	[tilespmem:s11+$0x10] =	vst v13;
	v1 =	vld.idx.msk [tilespmem:v3+s20+$0x0], $0xffff  }
0x14c: {  	[tilespmem:s11+$0x20] =	vst v14;
	v2 =	vld.idx.msk [tilespmem:v4+s20+$0x0], $0xffff  }
0x14d: {  	s12 =	simm.s32 $0xC940;
	[tilespmem:s11+$0xFFFFFFC0] =	vst v62;
	v3 =	vld.idx.msk [tilespmem:v5+s20+$0x0], $0xffff  }
0x14e: {  	v4 =	vld.idx.msk [tilespmem:v6+s20+$0x0], $0xffff;
	[tilespmem:s12+$0x30] =	vst v8  }
0x14f: {  	s13 =	simm.s32 $0x0;
	s14 =	simm.s32 $0x1C0;
	v5 =	vld.idx.msk [tilespmem:v7+s20+$0x0], $0xffff;
	[tilespmem:s12+$0xFFFFFFD0] =	vst v63  }
.LBB2_10:
0x150: {  	v6 =	vld [tilespmem:s14+$0x30];
	s13 =	sadd.s32 $0x80, s13;
	[tilespmem:s12+$0xFFFFFFE0] =	vst v0  }
0x151: {  	v0 =	vld [tilespmem:s14+$0xFFFFFFD0];
	p0 =	slt.u32 s13, $0x3180;
	[tilespmem:s12+$0xFFFFFFF0] =	vst v1  }
0x152: {  	v1 =	vld [tilespmem:s14+$0xFFFFFFE0];
	[tilespmem:s12+$0x0] =	vst v2  }
0x153: {  	v2 =	vld [tilespmem:s14+$0xFFFFFFF0];
	[tilespmem:s12+$0x10] =	vst v3  }
0x154: {  	v3 =	vld [tilespmem:s14+$0x0];
	[tilespmem:s12+$0x20] =	vst v4  }
0x155: {  	v4 =	vld [tilespmem:s14+$0x10];
	[tilespmem:s12+$0xFFFFFFC0] =	vst v5  }
0x156: {  	v5 =	vld [tilespmem:s14+$0x20]  }
0x157: {  	v7 =	vld [tilespmem:s14+$0xFFFFFFC0]  }
0x158: {  	v8 =	vld.idx.msk [tilespmem:v6+s1+$0x0], $0xffff  }
0x159: {  	v9 =	vld.idx.msk [tilespmem:v0+s1+$0x0], $0xffff  }
0x15a: {  	v10 =	vld.idx.msk [tilespmem:v1+s1+$0x0], $0xffff  }
0x15b: {  	v11 =	vld.idx.msk [tilespmem:v2+s1+$0x0], $0xffff  }
0x15c: {  	v12 =	vld.idx.msk [tilespmem:v3+s1+$0x0], $0xffff  }
0x15d: {  	s11 =	sadd.s32 $0x80, s11;
	v13 =	vld.idx.msk [tilespmem:v4+s1+$0x0], $0xffff  }
0x15e: {  	v14 =	vld.idx.msk [tilespmem:v5+s1+$0x0], $0xffff;
	[tilespmem:s11+$0x30] =	vst v8  }
0x15f: {  	[tilespmem:s11+$0xFFFFFFD0] =	vst v9;
	v6 =	vld.idx.msk [tilespmem:v6+s20+$0x0], $0xffff  }
0x160: {  	v8 =	vld.idx.msk [tilespmem:v7+s1+$0x0], $0xffff;
	[tilespmem:s11+$0xFFFFFFE0] =	vst v10  }
0x161: {  	v9 =	vld.idx.msk [tilespmem:v0+s20+$0x0], $0xffff;
	[tilespmem:s11+$0xFFFFFFF0] =	vst v11  }
0x162: {  	v0 =	vld.idx.msk [tilespmem:v1+s20+$0x0], $0xffff;
	[tilespmem:s11+$0x0] =	vst v12  }
.Ltmp4:
0x163: {  	v1 =	vld.idx.msk [tilespmem:v2+s20+$0x0], $0xffff;
	[tilespmem:s11+$0x10] =	vst v13;
	(pc) =	sbr.rel @p0 .LBB2_10-.Ltmp4, $4  }
0x164: {  	s12 =	sadd.s32 $0x80, s12;
	v2 =	vld.idx.msk [tilespmem:v3+s20+$0x0], $0xffff;
	[tilespmem:s11+$0x20] =	vst v14  }
0x165: {  	v3 =	vld.idx.msk [tilespmem:v4+s20+$0x0], $0xffff;
	[tilespmem:s12+$0x30] =	vst v6  }
0x166: {  	[tilespmem:s11+$0xFFFFFFC0] =	vst v8;
	v4 =	vld.idx.msk [tilespmem:v5+s20+$0x0], $0xffff  }
0x167: {  	s14 =	sadd.s32 $0x80, s14;
	v5 =	vld.idx.msk [tilespmem:v7+s20+$0x0], $0xffff;
	[tilespmem:s12+$0xFFFFFFD0] =	vst v9  }
0x168: {  	[tilespmem:s12+$0xFFFFFFE0] =	vst v0  }
0x169: {  	[tilespmem:s12+$0xFFFFFFF0] =	vst v1  }
0x16a: {  	[tilespmem:s12+$0x0] =	vst v2  }
0x16b: {  	[tilespmem:s12+$0x10] =	vst v3  }
0x16c: {  	[tilespmem:s12+$0x20] =	vst v4  }
0x16d: {  	[tilespmem:s12+$0xFFFFFFC0] =	vst v5  }
0x16e: {  	[hbm4b:s16+s1] =	stream.linear.scatter [tilespmem:s3], [sflag:$0x3], $0x3200, $0x38;
	[tilespmem:$0x12D00] =	vst v63  }
0x16f: {  	_ = 	snop  }
0x170: {  	[hbm4b:s17+s1] =	stream.linear.scatter [tilespmem:s4], [sflag:$0x3], $0x3200, $0x38;
	[tilespmem:$0x12D00] =	vst v63  }
0x171: {  	_ = 	snop  }
0x172: {  	[tilespmem:s0], [sflag:$0x1] =	stream.linear.gather [hbm4b:s21+s1], $0x3200, $0x38;
	[tilespmem:$0x12D00] =	vst v63  }
0x173: {  	_ =	swait.ge [sflag:s5], $0x3200  }
0x174: {  	[sflag:s5] =	ssyncset.done $0x0  }
0x175: {  	[sflag:s5] =	ssyncadd.s32 $0xFFFFCE00  }
0x176: {  	_ =	swait.ge [sflag:s9], $0x3200  }
0x177: {  	[sflag:s9] =	ssyncset.done $0x0  }
0x178: {  	[sflag:s9] =	ssyncadd.s32 $0xFFFFCE00  }
0x179: {  	_ =	swait.ge [sflag:s9], $0x3200  }
0x17a: {  	[sflag:s9] =	ssyncset.done $0x0  }
0x17b: {  	s11 =	simm.s32 $0x3340;
	[sflag:s9] =	ssyncadd.s32 $0xFFFFCE00  }
0x17c: {  	v0 =	vld [tilespmem:s11+$0x30]  }
0x17d: {  	v1 =	vld [tilespmem:s11+$0xFFFFFFD0]  }
0x17e: {  	v2 =	vld [tilespmem:s11+$0xFFFFFFE0]  }
0x17f: {  	v3 =	vld [tilespmem:s11+$0xFFFFFFF0]  }
0x180: {  	v4 =	vld [tilespmem:s11+$0x0]  }
0x181: {  	v5 =	vld [tilespmem:s11+$0x10]  }
0x182: {  	v6 =	vld [tilespmem:s11+$0x20]  }
0x183: {  	v7 =	vld [tilespmem:s11+$0xFFFFFFC0]  }
0x184: {  	v8 =	vld.idx.msk [tilespmem:v0+s1+$0x0], $0xffff  }
0x185: {  	v9 =	vld.idx.msk [tilespmem:v1+s1+$0x0], $0xffff  }
0x186: {  	v10 =	vld.idx.msk [tilespmem:v2+s1+$0x0], $0xffff  }
0x187: {  	v11 =	vld.idx.msk [tilespmem:v3+s1+$0x0], $0xffff  }
0x188: {  	v12 =	vld.idx.msk [tilespmem:v4+s1+$0x0], $0xffff  }
0x189: {  	s11 =	simm.s32 $0x9740;
	v13 =	vld.idx.msk [tilespmem:v5+s1+$0x0], $0xffff  }
0x18a: {  	v14 =	vld.idx.msk [tilespmem:v6+s1+$0x0], $0xffff;
	[tilespmem:s11+$0x30] =	vst v8  }
0x18b: {  	v62 =	vld.idx.msk [tilespmem:v7+s1+$0x0], $0xffff;
	[tilespmem:s11+$0xFFFFFFD0] =	vst v9  }
0x18c: {  	[tilespmem:s11+$0xFFFFFFE0] =	vst v10;
	v8 =	vld.idx.msk [tilespmem:v0+s20+$0x0], $0xffff  }
0x18d: {  	[tilespmem:s11+$0xFFFFFFF0] =	vst v11;
	v63 =	vld.idx.msk [tilespmem:v1+s20+$0x0], $0xffff  }
0x18e: {  	[tilespmem:s11+$0x0] =	vst v12;
	v0 =	vld.idx.msk [tilespmem:v2+s20+$0x0], $0xffff  }
0x18f: {  	[tilespmem:s11+$0x10] =	vst v13;
	v1 =	vld.idx.msk [tilespmem:v3+s20+$0x0], $0xffff  }
0x190: {  	[tilespmem:s11+$0x20] =	vst v14;
	v2 =	vld.idx.msk [tilespmem:v4+s20+$0x0], $0xffff  }
0x191: {  	s12 =	simm.s32 $0xFB40;
	[tilespmem:s11+$0xFFFFFFC0] =	vst v62;
	v3 =	vld.idx.msk [tilespmem:v5+s20+$0x0], $0xffff  }
0x192: {  	v4 =	vld.idx.msk [tilespmem:v6+s20+$0x0], $0xffff;
	[tilespmem:s12+$0x30] =	vst v8  }
0x193: {  	s13 =	simm.s32 $0x0;
	s14 =	simm.s32 $0x33C0;
	v5 =	vld.idx.msk [tilespmem:v7+s20+$0x0], $0xffff;
	[tilespmem:s12+$0xFFFFFFD0] =	vst v63  }
.LBB2_12:
0x194: {  	v6 =	vld [tilespmem:s14+$0x30];
	s13 =	sadd.s32 $0x80, s13;
	[tilespmem:s12+$0xFFFFFFE0] =	vst v0  }
0x195: {  	v0 =	vld [tilespmem:s14+$0xFFFFFFD0];
	p0 =	slt.u32 s13, $0x3180;
	[tilespmem:s12+$0xFFFFFFF0] =	vst v1  }
0x196: {  	v1 =	vld [tilespmem:s14+$0xFFFFFFE0];
	[tilespmem:s12+$0x0] =	vst v2  }
0x197: {  	v2 =	vld [tilespmem:s14+$0xFFFFFFF0];
	[tilespmem:s12+$0x10] =	vst v3  }
0x198: {  	v3 =	vld [tilespmem:s14+$0x0];
	[tilespmem:s12+$0x20] =	vst v4  }
0x199: {  	v4 =	vld [tilespmem:s14+$0x10];
	[tilespmem:s12+$0xFFFFFFC0] =	vst v5  }
0x19a: {  	v5 =	vld [tilespmem:s14+$0x20]  }
0x19b: {  	v7 =	vld [tilespmem:s14+$0xFFFFFFC0]  }
0x19c: {  	v8 =	vld.idx.msk [tilespmem:v6+s1+$0x0], $0xffff  }
0x19d: {  	v9 =	vld.idx.msk [tilespmem:v0+s1+$0x0], $0xffff  }
0x19e: {  	v10 =	vld.idx.msk [tilespmem:v1+s1+$0x0], $0xffff  }
0x19f: {  	v11 =	vld.idx.msk [tilespmem:v2+s1+$0x0], $0xffff  }
0x1a0: {  	v12 =	vld.idx.msk [tilespmem:v3+s1+$0x0], $0xffff  }
0x1a1: {  	s11 =	sadd.s32 $0x80, s11;
	v13 =	vld.idx.msk [tilespmem:v4+s1+$0x0], $0xffff  }
0x1a2: {  	v14 =	vld.idx.msk [tilespmem:v5+s1+$0x0], $0xffff;
	[tilespmem:s11+$0x30] =	vst v8  }
0x1a3: {  	[tilespmem:s11+$0xFFFFFFD0] =	vst v9;
	v6 =	vld.idx.msk [tilespmem:v6+s20+$0x0], $0xffff  }
0x1a4: {  	v8 =	vld.idx.msk [tilespmem:v7+s1+$0x0], $0xffff;
	[tilespmem:s11+$0xFFFFFFE0] =	vst v10  }
0x1a5: {  	v9 =	vld.idx.msk [tilespmem:v0+s20+$0x0], $0xffff;
	[tilespmem:s11+$0xFFFFFFF0] =	vst v11  }
0x1a6: {  	v0 =	vld.idx.msk [tilespmem:v1+s20+$0x0], $0xffff;
	[tilespmem:s11+$0x0] =	vst v12  }
.Ltmp5:
0x1a7: {  	v1 =	vld.idx.msk [tilespmem:v2+s20+$0x0], $0xffff;
	[tilespmem:s11+$0x10] =	vst v13;
	(pc) =	sbr.rel @p0 .LBB2_12-.Ltmp5, $4  }
0x1a8: {  	s12 =	sadd.s32 $0x80, s12;
	v2 =	vld.idx.msk [tilespmem:v3+s20+$0x0], $0xffff;
	[tilespmem:s11+$0x20] =	vst v14  }
0x1a9: {  	v3 =	vld.idx.msk [tilespmem:v4+s20+$0x0], $0xffff;
	[tilespmem:s12+$0x30] =	vst v6  }
0x1aa: {  	[tilespmem:s11+$0xFFFFFFC0] =	vst v8;
	v4 =	vld.idx.msk [tilespmem:v5+s20+$0x0], $0xffff  }
0x1ab: {  	s14 =	sadd.s32 $0x80, s14;
	v5 =	vld.idx.msk [tilespmem:v7+s20+$0x0], $0xffff;
	[tilespmem:s12+$0xFFFFFFD0] =	vst v9  }
0x1ac: {  	[tilespmem:s12+$0xFFFFFFE0] =	vst v0  }
0x1ad: {  	[tilespmem:s12+$0xFFFFFFF0] =	vst v1  }
0x1ae: {  	[tilespmem:s12+$0x0] =	vst v2  }
0x1af: {  	[tilespmem:s12+$0x10] =	vst v3  }
0x1b0: {  	[tilespmem:s12+$0x20] =	vst v4  }
0x1b1: {  	[tilespmem:s12+$0xFFFFFFC0] =	vst v5  }
0x1b2: {  	[hbm4b:s18+s1] =	stream.linear.scatter [tilespmem:s6], [sflag:$0x4], $0x3200, $0x38;
	[tilespmem:$0x12D00] =	vst v63  }
0x1b3: {  	_ = 	snop  }
0x1b4: {  	[hbm4b:s19+s1] =	stream.linear.scatter [tilespmem:s7], [sflag:$0x4], $0x3200, $0x38;
	[tilespmem:$0x12D00] =	vst v63  }
0x1b5: {  	_ = 	snop  }
0x1b6: {  	[tilespmem:s23], [sflag:$0x2] =	stream.linear.gather [hbm4b:s22+s1], $0x3200, $0x38;
	[tilespmem:$0x12D00] =	vst v63  }
0x1b7: {  	_ =	swait.ge [sflag:s2], $0x3200  }
0x1b8: {  	[sflag:s2] =	ssyncset.done $0x0  }
0x1b9: {  	[sflag:s2] =	ssyncadd.s32 $0xFFFFCE00  }
0x1ba: {  	_ =	swait.ge [sflag:s8], $0x3200  }
0x1bb: {  	[sflag:s8] =	ssyncset.done $0x0  }
0x1bc: {  	[sflag:s8] =	ssyncadd.s32 $0xFFFFCE00  }
0x1bd: {  	_ =	swait.ge [sflag:s8], $0x3200  }
0x1be: {  	[sflag:s8] =	ssyncset.done $0x0  }
0x1bf: {  	s11 =	simm.s32 $0x140;
	[sflag:s8] =	ssyncadd.s32 $0xFFFFCE00  }
0x1c0: {  	v0 =	vld [tilespmem:s11+$0x30]  }
0x1c1: {  	v1 =	vld [tilespmem:s11+$0xFFFFFFD0]  }
0x1c2: {  	v2 =	vld [tilespmem:s11+$0xFFFFFFE0]  }
0x1c3: {  	v3 =	vld [tilespmem:s11+$0xFFFFFFF0]  }
0x1c4: {  	v4 =	vld [tilespmem:s11+$0x0]  }
0x1c5: {  	v5 =	vld [tilespmem:s11+$0x10]  }
0x1c6: {  	v6 =	vld [tilespmem:s11+$0x20]  }
0x1c7: {  	v7 =	vld [tilespmem:s11+$0xFFFFFFC0]  }
0x1c8: {  	v8 =	vld.idx.msk [tilespmem:v0+s1+$0x0], $0xffff  }
0x1c9: {  	v9 =	vld.idx.msk [tilespmem:v1+s1+$0x0], $0xffff  }
0x1ca: {  	v10 =	vld.idx.msk [tilespmem:v2+s1+$0x0], $0xffff  }
0x1cb: {  	v11 =	vld.idx.msk [tilespmem:v3+s1+$0x0], $0xffff  }
0x1cc: {  	v12 =	vld.idx.msk [tilespmem:v4+s1+$0x0], $0xffff  }
0x1cd: {  	s11 =	simm.s32 $0x6540;
	v13 =	vld.idx.msk [tilespmem:v5+s1+$0x0], $0xffff  }
0x1ce: {  	v14 =	vld.idx.msk [tilespmem:v6+s1+$0x0], $0xffff;
	[tilespmem:s11+$0x30] =	vst v8  }
0x1cf: {  	v62 =	vld.idx.msk [tilespmem:v7+s1+$0x0], $0xffff;
	[tilespmem:s11+$0xFFFFFFD0] =	vst v9  }
0x1d0: {  	[tilespmem:s11+$0xFFFFFFE0] =	vst v10;
	v8 =	vld.idx.msk [tilespmem:v0+s20+$0x0], $0xffff  }
0x1d1: {  	[tilespmem:s11+$0xFFFFFFF0] =	vst v11;
	v63 =	vld.idx.msk [tilespmem:v1+s20+$0x0], $0xffff  }
0x1d2: {  	[tilespmem:s11+$0x0] =	vst v12;
	v0 =	vld.idx.msk [tilespmem:v2+s20+$0x0], $0xffff  }
0x1d3: {  	[tilespmem:s11+$0x10] =	vst v13;
	v1 =	vld.idx.msk [tilespmem:v3+s20+$0x0], $0xffff  }
0x1d4: {  	[tilespmem:s11+$0x20] =	vst v14;
	v2 =	vld.idx.msk [tilespmem:v4+s20+$0x0], $0xffff  }
0x1d5: {  	s12 =	simm.s32 $0xC940;
	[tilespmem:s11+$0xFFFFFFC0] =	vst v62;
	v3 =	vld.idx.msk [tilespmem:v5+s20+$0x0], $0xffff  }
0x1d6: {  	v4 =	vld.idx.msk [tilespmem:v6+s20+$0x0], $0xffff;
	[tilespmem:s12+$0x30] =	vst v8  }
0x1d7: {  	s13 =	simm.s32 $0x0;
	s14 =	simm.s32 $0x1C0;
	v5 =	vld.idx.msk [tilespmem:v7+s20+$0x0], $0xffff;
	[tilespmem:s12+$0xFFFFFFD0] =	vst v63  }
.LBB2_14:
0x1d8: {  	v6 =	vld [tilespmem:s14+$0x30];
	s13 =	sadd.s32 $0x80, s13;
	[tilespmem:s12+$0xFFFFFFE0] =	vst v0  }
0x1d9: {  	v0 =	vld [tilespmem:s14+$0xFFFFFFD0];
	p0 =	slt.u32 s13, $0x3180;
	[tilespmem:s12+$0xFFFFFFF0] =	vst v1  }
0x1da: {  	v1 =	vld [tilespmem:s14+$0xFFFFFFE0];
	[tilespmem:s12+$0x0] =	vst v2  }
0x1db: {  	v2 =	vld [tilespmem:s14+$0xFFFFFFF0];
	[tilespmem:s12+$0x10] =	vst v3  }
0x1dc: {  	v3 =	vld [tilespmem:s14+$0x0];
	[tilespmem:s12+$0x20] =	vst v4  }
0x1dd: {  	v4 =	vld [tilespmem:s14+$0x10];
	[tilespmem:s12+$0xFFFFFFC0] =	vst v5  }
0x1de: {  	v5 =	vld [tilespmem:s14+$0x20]  }
0x1df: {  	v7 =	vld [tilespmem:s14+$0xFFFFFFC0]  }
0x1e0: {  	v8 =	vld.idx.msk [tilespmem:v6+s1+$0x0], $0xffff  }
0x1e1: {  	v9 =	vld.idx.msk [tilespmem:v0+s1+$0x0], $0xffff  }
0x1e2: {  	v10 =	vld.idx.msk [tilespmem:v1+s1+$0x0], $0xffff  }
0x1e3: {  	v11 =	vld.idx.msk [tilespmem:v2+s1+$0x0], $0xffff  }
0x1e4: {  	v12 =	vld.idx.msk [tilespmem:v3+s1+$0x0], $0xffff  }
0x1e5: {  	s11 =	sadd.s32 $0x80, s11;
	v13 =	vld.idx.msk [tilespmem:v4+s1+$0x0], $0xffff  }
0x1e6: {  	v14 =	vld.idx.msk [tilespmem:v5+s1+$0x0], $0xffff;
	[tilespmem:s11+$0x30] =	vst v8  }
0x1e7: {  	[tilespmem:s11+$0xFFFFFFD0] =	vst v9;
	v6 =	vld.idx.msk [tilespmem:v6+s20+$0x0], $0xffff  }
0x1e8: {  	v8 =	vld.idx.msk [tilespmem:v7+s1+$0x0], $0xffff;
	[tilespmem:s11+$0xFFFFFFE0] =	vst v10  }
0x1e9: {  	v9 =	vld.idx.msk [tilespmem:v0+s20+$0x0], $0xffff;
	[tilespmem:s11+$0xFFFFFFF0] =	vst v11  }
0x1ea: {  	v0 =	vld.idx.msk [tilespmem:v1+s20+$0x0], $0xffff;
	[tilespmem:s11+$0x0] =	vst v12  }
.Ltmp6:
0x1eb: {  	v1 =	vld.idx.msk [tilespmem:v2+s20+$0x0], $0xffff;
	[tilespmem:s11+$0x10] =	vst v13;
	(pc) =	sbr.rel @p0 .LBB2_14-.Ltmp6, $4  }
0x1ec: {  	s12 =	sadd.s32 $0x80, s12;
	v2 =	vld.idx.msk [tilespmem:v3+s20+$0x0], $0xffff;
	[tilespmem:s11+$0x20] =	vst v14  }
0x1ed: {  	v3 =	vld.idx.msk [tilespmem:v4+s20+$0x0], $0xffff;
	[tilespmem:s12+$0x30] =	vst v6  }
0x1ee: {  	[tilespmem:s11+$0xFFFFFFC0] =	vst v8;
	v4 =	vld.idx.msk [tilespmem:v5+s20+$0x0], $0xffff  }
0x1ef: {  	s14 =	sadd.s32 $0x80, s14;
	v5 =	vld.idx.msk [tilespmem:v7+s20+$0x0], $0xffff;
	[tilespmem:s12+$0xFFFFFFD0] =	vst v9  }
0x1f0: {  	[tilespmem:s12+$0xFFFFFFE0] =	vst v0  }
0x1f1: {  	[tilespmem:s12+$0xFFFFFFF0] =	vst v1  }
0x1f2: {  	[tilespmem:s12+$0x0] =	vst v2  }
0x1f3: {  	[tilespmem:s12+$0x10] =	vst v3  }
0x1f4: {  	[tilespmem:s12+$0x20] =	vst v4  }
0x1f5: {  	[tilespmem:s12+$0xFFFFFFC0] =	vst v5  }
0x1f6: {  	[hbm4b:s24+s1] =	stream.linear.scatter [tilespmem:s3], [sflag:$0x3], $0x3200, $0x38;
	[tilespmem:$0x12D00] =	vst v63  }
0x1f7: {  	_ = 	snop  }
0x1f8: {  	[hbm4b:s25+s1] =	stream.linear.scatter [tilespmem:s4], [sflag:$0x3], $0x3200, $0x38;
	[tilespmem:$0x12D00] =	vst v63  }
0x1f9: {  	_ =	swait.ge [sflag:s5], $0x3200  }
0x1fa: {  	[sflag:s5] =	ssyncset.done $0x0  }
0x1fb: {  	[sflag:s5] =	ssyncadd.s32 $0xFFFFCE00  }
0x1fc: {  	_ =	swait.ge [sflag:s9], $0x3200  }
0x1fd: {  	[sflag:s9] =	ssyncset.done $0x0  }
0x1fe: {  	[sflag:s9] =	ssyncadd.s32 $0xFFFFCE00  }
0x1ff: {  	_ =	swait.ge [sflag:s9], $0x3200  }
0x200: {  	[sflag:s9] =	ssyncset.done $0x0  }
0x201: {  	s11 =	simm.s32 $0x3340;
	[sflag:s9] =	ssyncadd.s32 $0xFFFFCE00  }
0x202: {  	v0 =	vld [tilespmem:s11+$0x30]  }
0x203: {  	v1 =	vld [tilespmem:s11+$0xFFFFFFD0]  }
0x204: {  	v2 =	vld [tilespmem:s11+$0xFFFFFFE0]  }
0x205: {  	v3 =	vld [tilespmem:s11+$0xFFFFFFF0]  }
0x206: {  	v4 =	vld [tilespmem:s11+$0x0]  }
0x207: {  	v5 =	vld [tilespmem:s11+$0x10]  }
0x208: {  	v6 =	vld [tilespmem:s11+$0x20]  }
0x209: {  	v7 =	vld [tilespmem:s11+$0xFFFFFFC0]  }
0x20a: {  	v8 =	vld.idx.msk [tilespmem:v0+s1+$0x0], $0xffff  }
0x20b: {  	v9 =	vld.idx.msk [tilespmem:v1+s1+$0x0], $0xffff  }
0x20c: {  	v10 =	vld.idx.msk [tilespmem:v2+s1+$0x0], $0xffff  }
0x20d: {  	v11 =	vld.idx.msk [tilespmem:v3+s1+$0x0], $0xffff  }
0x20e: {  	v12 =	vld.idx.msk [tilespmem:v4+s1+$0x0], $0xffff  }
0x20f: {  	s11 =	simm.s32 $0x9740;
	v13 =	vld.idx.msk [tilespmem:v5+s1+$0x0], $0xffff  }
0x210: {  	v14 =	vld.idx.msk [tilespmem:v6+s1+$0x0], $0xffff;
	[tilespmem:s11+$0x30] =	vst v8  }
0x211: {  	v62 =	vld.idx.msk [tilespmem:v7+s1+$0x0], $0xffff;
	[tilespmem:s11+$0xFFFFFFD0] =	vst v9  }
0x212: {  	[tilespmem:s11+$0xFFFFFFE0] =	vst v10;
	v8 =	vld.idx.msk [tilespmem:v0+s20+$0x0], $0xffff  }
0x213: {  	[tilespmem:s11+$0xFFFFFFF0] =	vst v11;
	v63 =	vld.idx.msk [tilespmem:v1+s20+$0x0], $0xffff  }
0x214: {  	[tilespmem:s11+$0x0] =	vst v12;
	v0 =	vld.idx.msk [tilespmem:v2+s20+$0x0], $0xffff  }
0x215: {  	[tilespmem:s11+$0x10] =	vst v13;
	v1 =	vld.idx.msk [tilespmem:v3+s20+$0x0], $0xffff  }
0x216: {  	[tilespmem:s11+$0x20] =	vst v14;
	v2 =	vld.idx.msk [tilespmem:v4+s20+$0x0], $0xffff  }
0x217: {  	s12 =	simm.s32 $0xFB40;
	[tilespmem:s11+$0xFFFFFFC0] =	vst v62;
	v3 =	vld.idx.msk [tilespmem:v5+s20+$0x0], $0xffff  }
0x218: {  	v4 =	vld.idx.msk [tilespmem:v6+s20+$0x0], $0xffff;
	[tilespmem:s12+$0x30] =	vst v8  }
0x219: {  	s13 =	simm.s32 $0x0;
	s14 =	simm.s32 $0x33C0;
	v5 =	vld.idx.msk [tilespmem:v7+s20+$0x0], $0xffff;
	[tilespmem:s12+$0xFFFFFFD0] =	vst v63  }
.LBB2_16:
0x21a: {  	v6 =	vld [tilespmem:s14+$0x30];
	s13 =	sadd.s32 $0x80, s13;
	[tilespmem:s12+$0xFFFFFFE0] =	vst v0  }
0x21b: {  	v0 =	vld [tilespmem:s14+$0xFFFFFFD0];
	p0 =	slt.u32 s13, $0x3180;
	[tilespmem:s12+$0xFFFFFFF0] =	vst v1  }
0x21c: {  	v1 =	vld [tilespmem:s14+$0xFFFFFFE0];
	[tilespmem:s12+$0x0] =	vst v2  }
0x21d: {  	v2 =	vld [tilespmem:s14+$0xFFFFFFF0];
	[tilespmem:s12+$0x10] =	vst v3  }
0x21e: {  	v3 =	vld [tilespmem:s14+$0x0];
	[tilespmem:s12+$0x20] =	vst v4  }
0x21f: {  	v4 =	vld [tilespmem:s14+$0x10];
	[tilespmem:s12+$0xFFFFFFC0] =	vst v5  }
0x220: {  	v5 =	vld [tilespmem:s14+$0x20]  }
0x221: {  	v7 =	vld [tilespmem:s14+$0xFFFFFFC0]  }
0x222: {  	v8 =	vld.idx.msk [tilespmem:v6+s1+$0x0], $0xffff  }
0x223: {  	v9 =	vld.idx.msk [tilespmem:v0+s1+$0x0], $0xffff  }
0x224: {  	v10 =	vld.idx.msk [tilespmem:v1+s1+$0x0], $0xffff  }
0x225: {  	v11 =	vld.idx.msk [tilespmem:v2+s1+$0x0], $0xffff  }
0x226: {  	v12 =	vld.idx.msk [tilespmem:v3+s1+$0x0], $0xffff  }
0x227: {  	s11 =	sadd.s32 $0x80, s11;
	v13 =	vld.idx.msk [tilespmem:v4+s1+$0x0], $0xffff  }
0x228: {  	v14 =	vld.idx.msk [tilespmem:v5+s1+$0x0], $0xffff;
	[tilespmem:s11+$0x30] =	vst v8  }
0x229: {  	[tilespmem:s11+$0xFFFFFFD0] =	vst v9;
	v6 =	vld.idx.msk [tilespmem:v6+s20+$0x0], $0xffff  }
0x22a: {  	v8 =	vld.idx.msk [tilespmem:v7+s1+$0x0], $0xffff;
	[tilespmem:s11+$0xFFFFFFE0] =	vst v10  }
0x22b: {  	v9 =	vld.idx.msk [tilespmem:v0+s20+$0x0], $0xffff;
	[tilespmem:s11+$0xFFFFFFF0] =	vst v11  }
0x22c: {  	v0 =	vld.idx.msk [tilespmem:v1+s20+$0x0], $0xffff;
	[tilespmem:s11+$0x0] =	vst v12  }
.Ltmp7:
0x22d: {  	v1 =	vld.idx.msk [tilespmem:v2+s20+$0x0], $0xffff;
	[tilespmem:s11+$0x10] =	vst v13;
	(pc) =	sbr.rel @p0 .LBB2_16-.Ltmp7, $4  }
0x22e: {  	s12 =	sadd.s32 $0x80, s12;
	v2 =	vld.idx.msk [tilespmem:v3+s20+$0x0], $0xffff;
	[tilespmem:s11+$0x20] =	vst v14  }
0x22f: {  	v3 =	vld.idx.msk [tilespmem:v4+s20+$0x0], $0xffff;
	[tilespmem:s12+$0x30] =	vst v6  }
0x230: {  	[tilespmem:s11+$0xFFFFFFC0] =	vst v8;
	v4 =	vld.idx.msk [tilespmem:v5+s20+$0x0], $0xffff  }
0x231: {  	s14 =	sadd.s32 $0x80, s14;
	v5 =	vld.idx.msk [tilespmem:v7+s20+$0x0], $0xffff;
	[tilespmem:s12+$0xFFFFFFD0] =	vst v9  }
0x232: {  	[tilespmem:s12+$0xFFFFFFE0] =	vst v0  }
0x233: {  	[tilespmem:s12+$0xFFFFFFF0] =	vst v1  }
0x234: {  	[tilespmem:s12+$0x0] =	vst v2  }
0x235: {  	[tilespmem:s12+$0x10] =	vst v3  }
0x236: {  	[tilespmem:s12+$0x20] =	vst v4  }
0x237: {  	[tilespmem:s12+$0xFFFFFFC0] =	vst v5  }
0x238: {  	[hbm4b:s26+s1] =	stream.linear.scatter [tilespmem:s6], [sflag:$0x4], $0x3200, $0x38;
	[tilespmem:$0x12D00] =	vst v63  }
0x239: {  	_ = 	snop  }
0x23a: {  	[hbm4b:s28+s1] =	stream.linear.scatter [tilespmem:s7], [sflag:$0x4], $0x3200, $0x38;
	[tilespmem:$0x12D00] =	vst v63  }
0x23b: {  	_ =	swait.ge [sflag:s8], $0x3200  }
0x23c: {  	[sflag:s8] =	ssyncset.done $0x0  }
0x23d: {  	[sflag:s8] =	ssyncadd.s32 $0xFFFFCE00  }
0x23e: {  	_ =	swait.ge [sflag:s8], $0x3200  }
0x23f: {  	[sflag:s8] =	ssyncset.done $0x0  }
0x240: {  	s10 =	sadd.s32 $0x1, s10;
	[sflag:s8] =	ssyncadd.s32 $0xFFFFCE00  }
0x241: {  	p0 =	sne.s32 s10, s29;
	_ =	swait.ge [sflag:s9], $0x3200  }
.Ltmp8:
0x242: {  	[sflag:s9] =	ssyncset.done $0x0;
	(pc) =	sbr.rel @p0 .LBB2_1-.Ltmp8, $4  }
0x243: {  	[sflag:s9] =	ssyncadd.s32 $0xFFFFCE00  }
0x244: {  	_ =	swait.ge [sflag:s9], $0x3200  }
0x245: {  	[sflag:s9] =	ssyncset.done $0x0  }
0x246: {  	[sflag:s9] =	ssyncadd.s32 $0xFFFFCE00  }
0x247: {  	_ =	sfence.sel $0x180000  }
0x248: {  	[bflag:$0x0] =	sbarrier.arrive $0xFFFF  }
0x249: {  	_ =	strace $0x90000047  }
0x24a: {  	s0 =	stileid.u32;
	[bflag:$0x2] =	sbarrier.arrive $0xFFFF  }
0x24b: {  	p0 =	sne.s32 s0, $0x0;
	s0 =	rddreg [dreg:$0x4]  }
0x24c: {  	s0 =	sadd.s32 @!p0 $0x100000, s0  }
0x24d: {  	[sflag:s0] =	ssyncadd.tile.s32 @!p0 $0x1;
	_ =	shalt  }
.Lfunc_end2:
_tile_overlayer_lowered:
.L_overlay_start_2:
0x24e: {  	(tag) =	ssettag $0x2  }
0x24f: {  	s0 =	rddreg [dreg:$0x0];
	s2 =	stileid.u32  }
0x250: {  	s1 =	rddreg [dreg:$0x1];
	p0 =	sne.s32 s2, $0x0  }
0x251: {  	s3 =	rddreg [dreg:$0x2];
	[bflag:$0x3] =	sbarrier.arrive $0xFFFF;
	s2 =	simm.s32 @!p0 $0x1C05  }
0x252: {  	[timem:s3], [sflag:s2] =	dma.local @!p0 [hbm:s0], s1  }
0x253: {  	s0 =	simm.s32 @!p0 $0x5  }
0x254: {  	_ =	swait.ge @!p0 [sflag:s0], s1  }
0x255: {  	s1 =	ssub.s32 @!p0 $0x0, s1;
	[sflag:s0] =	ssyncset.done @!p0 $0x0  }
0x256: {  	[sflag:s0] =	ssyncadd.s32 @!p0 s1  }
0x257: {  	[bflag:$0x3] =	sbarrier.arrive $0xFFFF  }
0x258: {  	_ =	shalt  }

</sc_bundles>
